<compile_context>
chip_gen: v7x
topology: tpu7x:2x2x1
jax: 0.10.2.dev20260603
libtpu: 0.0.44.dev20260713+nightly
codegen_flags: <defaults>
</compile_context>

<pallas_src>
import functools

import jax
import jax.numpy as jnp
from jax import lax
from jax.experimental import pallas as pl
from jax.experimental.pallas import tpu as pltpu
from jax.experimental.pallas import tpu_sc as plsc

NC = 2
NS = 16
NW = NC * NS
GMAX = 128
CS = 2
NBUF = 4


def _gather_slices(rows):
    out, off = [], 0
    while off < rows:
        n = min(GMAX, rows - off)
        out.append((off, n))
        off += n
    return out


def _emb_body(S, D, n_per_w, tok_hbm, e_hbm, p_hbm, out_hbm,
              idx_v, rows_v, sem_in, sem_g, sem_w):
    wid = lax.axis_index("s") * NC + lax.axis_index("c")
    base = wid * n_per_w
    cr = CS * S
    n_chunks = n_per_w // cr
    slices = _gather_slices(cr)

    def outer(g, carry):
        descs_in = []
        for b in range(NBUF):
            chunk = g + b

            @pl.when(chunk >= NBUF)
            def _(b=b):
                pltpu.make_async_copy(rows_v[b],
                                      out_hbm.at[pl.ds(0, cr)],
                                      sem_w[b]).wait()

            row0 = base + chunk * cr
            d1 = pltpu.async_copy(tok_hbm.at[pl.ds(row0, cr)], idx_v[b],
                                  sem_in[b])
            d2 = pltpu.async_copy(p_hbm, rows_v[b], sem_in[b])
            descs_in.append((d1, d2))
        gdescs = []
        for b in range(NBUF):
            d1, d2 = descs_in[b]
            d1.wait()
            d2.wait()
            gdescs.append([
                pltpu.async_copy(e_hbm.at[idx_v[b].at[pl.ds(off, n)]],
                                 rows_v[b].at[pl.ds(off, n)], sem_g[b],
                                 add=True)
                for off, n in slices
            ])
        for b in range(NBUF):
            for d in gdescs[b]:
                d.wait()
            row0 = base + (g + b) * cr
            pltpu.async_copy(rows_v[b], out_hbm.at[pl.ds(row0, cr)], sem_w[b])
        return carry

    lax.fori_loop(0, n_chunks // NBUF, lambda i, c: outer(i * NBUF, c), 0)
    for b in range(NBUF):
        pltpu.make_async_copy(rows_v[b], out_hbm.at[pl.ds(0, cr)],
                              sem_w[b]).wait()


def _mask_body(tok_ref, out_ref):
    out_ref[...] = tok_ref[...] != 0


def kernel(token_batch, E, P):
    B, S = token_batch.shape
    V, D = E.shape
    N = B * S
    n_per_w = N // NW
    tok_flat = token_batch.reshape(N)
    p_tiled = jnp.tile(P, (CS, 1))

    cr = CS * S
    mesh = plsc.VectorSubcoreMesh(core_axis_name="c", subcore_axis_name="s")
    emb = functools.partial(
        pl.kernel,
        mesh=mesh,
        out_type=jax.ShapeDtypeStruct((N, D), jnp.float32),
        scratch_types=[
            [pltpu.VMEM((cr,), jnp.int32) for _ in range(NBUF)],
            [pltpu.VMEM((cr, D), jnp.float32) for _ in range(NBUF)],
            [pltpu.SemaphoreType.DMA for _ in range(NBUF)],
            [pltpu.SemaphoreType.DMA for _ in range(NBUF)],
            [pltpu.SemaphoreType.DMA for _ in range(NBUF)],
        ],
        compiler_params=pltpu.CompilerParams(use_tc_tiling_on_sc=False),
    )(functools.partial(_emb_body, S, D, n_per_w))

    x_flat = emb(tok_flat, E, p_tiled)

    mask = pl.pallas_call(
        _mask_body,
        out_shape=jax.ShapeDtypeStruct((B, S), jnp.bool_),
    )(token_batch)

    return (x_flat.reshape(B, S, D), mask)

# --- scband reference (transcript-rebuilt; emitter-appended) ---
"""Pipeline reference for scband-embedding-layer-58188216926706 (READ-ONLY COPY).

The authoritative reference and input builder live on the scoring server;
editing this copy changes nothing except your own understanding.
"""

import jax, jax.numpy as jnp
import numpy as np

VOCAB = 1000000
D = 64
CTX = 200
PAD = 0
BATCH = 1024
SEQ = 200

def setup_inputs(seed: int = 0) -> dict:
    key = jax.random.key(seed)
    k1, k2, k3 = jax.random.split(key, 3)
    token_batch = jax.random.randint(k1, (BATCH, SEQ), 0, VOCAB, dtype=jnp.int64) if jax.config.jax_enable_x64 else jax.random.randint(k1, (BATCH, SEQ), 0, VOCAB, dtype=jnp.int32)
    E = jax.random.normal(k2, (VOCAB, D), dtype=jnp.float32) * 0.02
    P = jax.random.normal(k3, (CTX, D), dtype=jnp.float32) * 0.02
    return {"token_batch": token_batch, "E": E, "P": P}

def reference(token_batch, E, P):
    batch_size, seq_len = token_batch.shape
    positions = jnp.tile(jnp.arange(seq_len)[None, :], (batch_size, 1))
    padding_mask = token_batch != PAD
    X = jnp.take(E, token_batch, axis=0) + jnp.take(P, positions, axis=0)
    return (X, padding_mask)

if __name__ == "__main__":
    import jax
    _d = setup_inputs()
    print(jax.jit(kernel)(*tuple(_d.values())))

</pallas_src>

<mosaic_0001>
#map = affine_map<(d0, d1) -> (0)>
#map1 = affine_map<(d0, d1) -> (0, 0)>
module attributes {stable_mosaic.version = 14 : i64} {
  func.func @_emb_body(%arg0: i32, %arg1: i32, %arg2: memref<204800xi32, #tpu.memory_space<hbm>>, %arg3: memref<1000000x64xf32, #tpu.memory_space<hbm>>, %arg4: memref<400x64xf32, #tpu.memory_space<hbm>>, %arg5: memref<204800x64xf32, #tpu.memory_space<hbm>>, %arg6: memref<400xi32, #tpu.memory_space<vmem>>, %arg7: memref<400xi32, #tpu.memory_space<vmem>>, %arg8: memref<400xi32, #tpu.memory_space<vmem>>, %arg9: memref<400xi32, #tpu.memory_space<vmem>>, %arg10: memref<400x64xf32, #tpu.memory_space<vmem>>, %arg11: memref<400x64xf32, #tpu.memory_space<vmem>>, %arg12: memref<400x64xf32, #tpu.memory_space<vmem>>, %arg13: memref<400x64xf32, #tpu.memory_space<vmem>>, %arg14: memref<!tpu.dma_semaphore, #tpu.memory_space<semaphore_mem>>, %arg15: memref<!tpu.dma_semaphore, #tpu.memory_space<semaphore_mem>>, %arg16: memref<!tpu.dma_semaphore, #tpu.memory_space<semaphore_mem>>, %arg17: memref<!tpu.dma_semaphore, #tpu.memory_space<semaphore_mem>>, %arg18: memref<!tpu.dma_semaphore, #tpu.memory_space<semaphore_mem>>, %arg19: memref<!tpu.dma_semaphore, #tpu.memory_space<semaphore_mem>>, %arg20: memref<!tpu.dma_semaphore, #tpu.memory_space<semaphore_mem>>, %arg21: memref<!tpu.dma_semaphore, #tpu.memory_space<semaphore_mem>>, %arg22: memref<!tpu.dma_semaphore, #tpu.memory_space<semaphore_mem>>, %arg23: memref<!tpu.dma_semaphore, #tpu.memory_space<semaphore_mem>>, %arg24: memref<!tpu.dma_semaphore, #tpu.memory_space<semaphore_mem>>, %arg25: memref<!tpu.dma_semaphore, #tpu.memory_space<semaphore_mem>>) attributes {dimension_semantics = [#tpu.dimension_semantics<core_parallel>, #tpu.dimension_semantics<subcore_parallel>], iteration_bounds = array<i64: 2, 16>, scalar_prefetch = 0 : i64, scratch_operands = 20 : i64, tpu.core_type = #tpu.core_type<sc_vector_subcore>, window_params = [{transform_indices = #map}, {transform_indices = #map1}, {transform_indices = #map1}, {transform_indices = #map1}]} {
    %mul3A = arith.constant 2 : i32
    %mul3A_0 = arith.muli %arg1, %mul3A : i32
    %add3A = arith.addi %mul3A_0, %arg0 : i32
    %mul3A_1 = arith.constant 6400 : i32
    %mul3A_2 = arith.muli %add3A, %mul3A_1 : i32
    %scan3A = arith.constant 0 : i32
    %scan3A_3 = arith.constant 0 : i32
    %scan3A_4 = arith.constant 4 : i32
    %scan3A_5 = arith.addi %scan3A_3, %scan3A_4 : i32
    %scan3A_6 = arith.constant 1 : i32
    scf.for %scan3A_31 = %scan3A_3 to %scan3A_5 step %scan3A_6  : i32 {
      %mul3A_32 = arith.constant 4 : i32
      %mul3A_33 = arith.muli %scan3A_31, %mul3A_32 : i32
      %add3A_34 = arith.constant 0 : i32
      %add3A_35 = arith.addi %mul3A_33, %add3A_34 : i32
      %ge3A = arith.constant 4 : i32
      %ge3A_36 = arith.cmpi sge, %add3A_35, %ge3A : i32
      %convert_element_type3A = arith.extui %ge3A_36 : i1 to i32
      %cond3A = arith.constant 0 : i32
      %cond3A_37 = arith.cmpi ne, %convert_element_type3A, %cond3A : i32
      scf.if %cond3A_37 {
        %dma_wait3A_378 = arith.constant 0 : i32
        %dma_wait3A_379 = arith.constant 0 : i32
        %dma_wait3A_380 = tpu.memref_slice %arg5[%dma_wait3A_378, %dma_wait3A_379] : memref<204800x64xf32, #tpu.memory_space<hbm>> -> memref<400x64xf32, #tpu.memory_space<hbm>>
        %dma_wait3A_381 = arith.constant 0 : i32
        %dma_wait3A_382 = arith.constant 0 : i32
        %dma_wait3A_383 = tpu.memref_slice %arg5[%dma_wait3A_381, %dma_wait3A_382] : memref<204800x64xf32, #tpu.memory_space<hbm>> -> memref<400x64xf32, #tpu.memory_space<hbm>>
        tpu.wait_dma2 semaphore(%arg22 : memref<!tpu.dma_semaphore, #tpu.memory_space<semaphore_mem>>) src(%arg10 : memref<400x64xf32, #tpu.memory_space<vmem>>) dst(%dma_wait3A_383 : memref<400x64xf32, #tpu.memory_space<hbm>>)
      } else {
      }
      %mul3A_38 = arith.constant 400 : i32
      %mul3A_39 = arith.muli %add3A_35, %mul3A_38 : i32
      %add3A_40 = arith.addi %mul3A_2, %mul3A_39 : i32
      %dma_start3A = tpu.memref_slice %arg2[%add3A_40] : memref<204800xi32, #tpu.memory_space<hbm>> -> memref<400xi32, #tpu.memory_space<hbm>>
      %dma_start3A_41 = tpu.memref_slice %arg2[%add3A_40] : memref<204800xi32, #tpu.memory_space<hbm>> -> memref<400xi32, #tpu.memory_space<hbm>>
      tpu.enqueue_dma source(%dma_start3A_41 : memref<400xi32, #tpu.memory_space<hbm>>) target(%arg6 : memref<400xi32, #tpu.memory_space<vmem>>) target_semaphore(%arg14 : memref<!tpu.dma_semaphore, #tpu.memory_space<semaphore_mem>>)
      tpu.enqueue_dma source(%arg4 : memref<400x64xf32, #tpu.memory_space<hbm>>) target(%arg10 : memref<400x64xf32, #tpu.memory_space<vmem>>) target_semaphore(%arg14 : memref<!tpu.dma_semaphore, #tpu.memory_space<semaphore_mem>>)
      %add3A_42 = arith.constant 1 : i32
      %add3A_43 = arith.addi %mul3A_33, %add3A_42 : i32
      %ge3A_44 = arith.constant 4 : i32
      %ge3A_45 = arith.cmpi sge, %add3A_43, %ge3A_44 : i32
      %convert_element_type3A_46 = arith.extui %ge3A_45 : i1 to i32
      %cond3A_47 = arith.constant 0 : i32
      %cond3A_48 = arith.cmpi ne, %convert_element_type3A_46, %cond3A_47 : i32
      scf.if %cond3A_48 {
        %dma_wait3A_378 = arith.constant 0 : i32
        %dma_wait3A_379 = arith.constant 0 : i32
        %dma_wait3A_380 = tpu.memref_slice %arg5[%dma_wait3A_378, %dma_wait3A_379] : memref<204800x64xf32, #tpu.memory_space<hbm>> -> memref<400x64xf32, #tpu.memory_space<hbm>>
        %dma_wait3A_381 = arith.constant 0 : i32
        %dma_wait3A_382 = arith.constant 0 : i32
        %dma_wait3A_383 = tpu.memref_slice %arg5[%dma_wait3A_381, %dma_wait3A_382] : memref<204800x64xf32, #tpu.memory_space<hbm>> -> memref<400x64xf32, #tpu.memory_space<hbm>>
        tpu.wait_dma2 semaphore(%arg23 : memref<!tpu.dma_semaphore, #tpu.memory_space<semaphore_mem>>) src(%arg11 : memref<400x64xf32, #tpu.memory_space<vmem>>) dst(%dma_wait3A_383 : memref<400x64xf32, #tpu.memory_space<hbm>>)
      } else {
      }
      %mul3A_49 = arith.constant 400 : i32
      %mul3A_50 = arith.muli %add3A_43, %mul3A_49 : i32
      %add3A_51 = arith.addi %mul3A_2, %mul3A_50 : i32
      %dma_start3A_52 = tpu.memref_slice %arg2[%add3A_51] : memref<204800xi32, #tpu.memory_space<hbm>> -> memref<400xi32, #tpu.memory_space<hbm>>
      %dma_start3A_53 = tpu.memref_slice %arg2[%add3A_51] : memref<204800xi32, #tpu.memory_space<hbm>> -> memref<400xi32, #tpu.memory_space<hbm>>
      tpu.enqueue_dma source(%dma_start3A_53 : memref<400xi32, #tpu.memory_space<hbm>>) target(%arg7 : memref<400xi32, #tpu.memory_space<vmem>>) target_semaphore(%arg15 : memref<!tpu.dma_semaphore, #tpu.memory_space<semaphore_mem>>)
      tpu.enqueue_dma source(%arg4 : memref<400x64xf32, #tpu.memory_space<hbm>>) target(%arg11 : memref<400x64xf32, #tpu.memory_space<vmem>>) target_semaphore(%arg15 : memref<!tpu.dma_semaphore, #tpu.memory_space<semaphore_mem>>)
      %add3A_54 = arith.constant 2 : i32
      %add3A_55 = arith.addi %mul3A_33, %add3A_54 : i32
      %ge3A_56 = arith.constant 4 : i32
      %ge3A_57 = arith.cmpi sge, %add3A_55, %ge3A_56 : i32
      %convert_element_type3A_58 = arith.extui %ge3A_57 : i1 to i32
      %cond3A_59 = arith.constant 0 : i32
      %cond3A_60 = arith.cmpi ne, %convert_element_type3A_58, %cond3A_59 : i32
      scf.if %cond3A_60 {
        %dma_wait3A_378 = arith.constant 0 : i32
        %dma_wait3A_379 = arith.constant 0 : i32
        %dma_wait3A_380 = tpu.memref_slice %arg5[%dma_wait3A_378, %dma_wait3A_379] : memref<204800x64xf32, #tpu.memory_space<hbm>> -> memref<400x64xf32, #tpu.memory_space<hbm>>
        %dma_wait3A_381 = arith.constant 0 : i32
        %dma_wait3A_382 = arith.constant 0 : i32
        %dma_wait3A_383 = tpu.memref_slice %arg5[%dma_wait3A_381, %dma_wait3A_382] : memref<204800x64xf32, #tpu.memory_space<hbm>> -> memref<400x64xf32, #tpu.memory_space<hbm>>
        tpu.wait_dma2 semaphore(%arg24 : memref<!tpu.dma_semaphore, #tpu.memory_space<semaphore_mem>>) src(%arg12 : memref<400x64xf32, #tpu.memory_space<vmem>>) dst(%dma_wait3A_383 : memref<400x64xf32, #tpu.memory_space<hbm>>)
      } else {
      }
      %mul3A_61 = arith.constant 400 : i32
      %mul3A_62 = arith.muli %add3A_55, %mul3A_61 : i32
      %add3A_63 = arith.addi %mul3A_2, %mul3A_62 : i32
      %dma_start3A_64 = tpu.memref_slice %arg2[%add3A_63] : memref<204800xi32, #tpu.memory_space<hbm>> -> memref<400xi32, #tpu.memory_space<hbm>>
      %dma_start3A_65 = tpu.memref_slice %arg2[%add3A_63] : memref<204800xi32, #tpu.memory_space<hbm>> -> memref<400xi32, #tpu.memory_space<hbm>>
      tpu.enqueue_dma source(%dma_start3A_65 : memref<400xi32, #tpu.memory_space<hbm>>) target(%arg8 : memref<400xi32, #tpu.memory_space<vmem>>) target_semaphore(%arg16 : memref<!tpu.dma_semaphore, #tpu.memory_space<semaphore_mem>>)
      tpu.enqueue_dma source(%arg4 : memref<400x64xf32, #tpu.memory_space<hbm>>) target(%arg12 : memref<400x64xf32, #tpu.memory_space<vmem>>) target_semaphore(%arg16 : memref<!tpu.dma_semaphore, #tpu.memory_space<semaphore_mem>>)
      %add3A_66 = arith.constant 3 : i32
      %add3A_67 = arith.addi %mul3A_33, %add3A_66 : i32
      %ge3A_68 = arith.constant 4 : i32
      %ge3A_69 = arith.cmpi sge, %add3A_67, %ge3A_68 : i32
      %convert_element_type3A_70 = arith.extui %ge3A_69 : i1 to i32
      %cond3A_71 = arith.constant 0 : i32
      %cond3A_72 = arith.cmpi ne, %convert_element_type3A_70, %cond3A_71 : i32
      scf.if %cond3A_72 {
        %dma_wait3A_378 = arith.constant 0 : i32
        %dma_wait3A_379 = arith.constant 0 : i32
        %dma_wait3A_380 = tpu.memref_slice %arg5[%dma_wait3A_378, %dma_wait3A_379] : memref<204800x64xf32, #tpu.memory_space<hbm>> -> memref<400x64xf32, #tpu.memory_space<hbm>>
        %dma_wait3A_381 = arith.constant 0 : i32
        %dma_wait3A_382 = arith.constant 0 : i32
        %dma_wait3A_383 = tpu.memref_slice %arg5[%dma_wait3A_381, %dma_wait3A_382] : memref<204800x64xf32, #tpu.memory_space<hbm>> -> memref<400x64xf32, #tpu.memory_space<hbm>>
        tpu.wait_dma2 semaphore(%arg25 : memref<!tpu.dma_semaphore, #tpu.memory_space<semaphore_mem>>) src(%arg13 : memref<400x64xf32, #tpu.memory_space<vmem>>) dst(%dma_wait3A_383 : memref<400x64xf32, #tpu.memory_space<hbm>>)
      } else {
      }
      %mul3A_73 = arith.constant 400 : i32
      %mul3A_74 = arith.muli %add3A_67, %mul3A_73 : i32
      %add3A_75 = arith.addi %mul3A_2, %mul3A_74 : i32
      %dma_start3A_76 = tpu.memref_slice %arg2[%add3A_75] : memref<204800xi32, #tpu.memory_space<hbm>> -> memref<400xi32, #tpu.memory_space<hbm>>
      %dma_start3A_77 = tpu.memref_slice %arg2[%add3A_75] : memref<204800xi32, #tpu.memory_space<hbm>> -> memref<400xi32, #tpu.memory_space<hbm>>
      tpu.enqueue_dma source(%dma_start3A_77 : memref<400xi32, #tpu.memory_space<hbm>>) target(%arg9 : memref<400xi32, #tpu.memory_space<vmem>>) target_semaphore(%arg17 : memref<!tpu.dma_semaphore, #tpu.memory_space<semaphore_mem>>)
      tpu.enqueue_dma source(%arg4 : memref<400x64xf32, #tpu.memory_space<hbm>>) target(%arg13 : memref<400x64xf32, #tpu.memory_space<vmem>>) target_semaphore(%arg17 : memref<!tpu.dma_semaphore, #tpu.memory_space<semaphore_mem>>)
      %dma_wait3A_78 = tpu.memref_slice %arg2[%add3A_40] : memref<204800xi32, #tpu.memory_space<hbm>> -> memref<400xi32, #tpu.memory_space<hbm>>
      %dma_wait3A_79 = tpu.memref_slice %arg2[%add3A_40] : memref<204800xi32, #tpu.memory_space<hbm>> -> memref<400xi32, #tpu.memory_space<hbm>>
      tpu.wait_dma2 semaphore(%arg14 : memref<!tpu.dma_semaphore, #tpu.memory_space<semaphore_mem>>) src(%dma_wait3A_79 : memref<400xi32, #tpu.memory_space<hbm>>) dst(%arg6 : memref<400xi32, #tpu.memory_space<vmem>>)
      tpu.wait_dma2 semaphore(%arg14 : memref<!tpu.dma_semaphore, #tpu.memory_space<semaphore_mem>>) src(%arg4 : memref<400x64xf32, #tpu.memory_space<hbm>>) dst(%arg10 : memref<400x64xf32, #tpu.memory_space<vmem>>)
      %dma_start3A_80 = arith.constant 0 : i32
      %dma_start3A_81 = arith.constant 0 : i32
      %dma_start3A_82 = tpu.memref_slice %arg10[%dma_start3A_80, %dma_start3A_81] : memref<400x64xf32, #tpu.memory_space<vmem>> -> memref<128x64xf32, #tpu.memory_space<vmem>>
      %dma_start3A_83 = arith.constant 0 : i32
      %dma_start3A_84 = tpu.memref_slice %arg6[%dma_start3A_83] : memref<400xi32, #tpu.memory_space<vmem>> -> memref<128xi32, #tpu.memory_space<vmem>>
      %dma_start3A_85 = arith.constant 0 : i32
      %dma_start3A_86 = arith.constant 0 : i32
      %dma_start3A_87 = tpu.memref_slice %arg3[%dma_start3A_85, %dma_start3A_86] : memref<1000000x64xf32, #tpu.memory_space<hbm>> -> memref<1000000x64xf32, #tpu.memory_space<hbm>>
      tpu.enqueue_indirect_dma source(%dma_start3A_87 : memref<1000000x64xf32, #tpu.memory_space<hbm>>) target(%dma_start3A_82 : memref<128x64xf32, #tpu.memory_space<vmem>>) offsets(%dma_start3A_84 : memref<128xi32, #tpu.memory_space<vmem>>) semaphore(%arg18 : memref<!tpu.dma_semaphore, #tpu.memory_space<semaphore_mem>>) {add = true}
      %dma_start3A_88 = arith.constant 128 : i32
      %dma_start3A_89 = arith.constant 0 : i32
      %dma_start3A_90 = tpu.memref_slice %arg10[%dma_start3A_88, %dma_start3A_89] : memref<400x64xf32, #tpu.memory_space<vmem>> -> memref<128x64xf32, #tpu.memory_space<vmem>>
      %dma_start3A_91 = arith.constant 128 : i32
      %dma_start3A_92 = tpu.memref_slice %arg6[%dma_start3A_91] : memref<400xi32, #tpu.memory_space<vmem>> -> memref<128xi32, #tpu.memory_space<vmem>>
      %dma_start3A_93 = arith.constant 0 : i32
      %dma_start3A_94 = arith.constant 0 : i32
      %dma_start3A_95 = tpu.memref_slice %arg3[%dma_start3A_93, %dma_start3A_94] : memref<1000000x64xf32, #tpu.memory_space<hbm>> -> memref<1000000x64xf32, #tpu.memory_space<hbm>>
      tpu.enqueue_indirect_dma source(%dma_start3A_95 : memref<1000000x64xf32, #tpu.memory_space<hbm>>) target(%dma_start3A_90 : memref<128x64xf32, #tpu.memory_space<vmem>>) offsets(%dma_start3A_92 : memref<128xi32, #tpu.memory_space<vmem>>) semaphore(%arg18 : memref<!tpu.dma_semaphore, #tpu.memory_space<semaphore_mem>>) {add = true}
      %dma_start3A_96 = arith.constant 256 : i32
      %dma_start3A_97 = arith.constant 0 : i32
      %dma_start3A_98 = tpu.memref_slice %arg10[%dma_start3A_96, %dma_start3A_97] : memref<400x64xf32, #tpu.memory_space<vmem>> -> memref<128x64xf32, #tpu.memory_space<vmem>>
      %dma_start3A_99 = arith.constant 256 : i32
      %dma_start3A_100 = tpu.memref_slice %arg6[%dma_start3A_99] : memref<400xi32, #tpu.memory_space<vmem>> -> memref<128xi32, #tpu.memory_space<vmem>>
      %dma_start3A_101 = arith.constant 0 : i32
      %dma_start3A_102 = arith.constant 0 : i32
      %dma_start3A_103 = tpu.memref_slice %arg3[%dma_start3A_101, %dma_start3A_102] : memref<1000000x64xf32, #tpu.memory_space<hbm>> -> memref<1000000x64xf32, #tpu.memory_space<hbm>>
      tpu.enqueue_indirect_dma source(%dma_start3A_103 : memref<1000000x64xf32, #tpu.memory_space<hbm>>) target(%dma_start3A_98 : memref<128x64xf32, #tpu.memory_space<vmem>>) offsets(%dma_start3A_100 : memref<128xi32, #tpu.memory_space<vmem>>) semaphore(%arg18 : memref<!tpu.dma_semaphore, #tpu.memory_space<semaphore_mem>>) {add = true}
      %dma_start3A_104 = arith.constant 384 : i32
      %dma_start3A_105 = arith.constant 0 : i32
      %dma_start3A_106 = tpu.memref_slice %arg10[%dma_start3A_104, %dma_start3A_105] : memref<400x64xf32, #tpu.memory_space<vmem>> -> memref<16x64xf32, #tpu.memory_space<vmem>>
      %dma_start3A_107 = arith.constant 384 : i32
      %dma_start3A_108 = tpu.memref_slice %arg6[%dma_start3A_107] : memref<400xi32, #tpu.memory_space<vmem>> -> memref<16xi32, #tpu.memory_space<vmem>>
      %dma_start3A_109 = arith.constant 0 : i32
      %dma_start3A_110 = arith.constant 0 : i32
      %dma_start3A_111 = tpu.memref_slice %arg3[%dma_start3A_109, %dma_start3A_110] : memref<1000000x64xf32, #tpu.memory_space<hbm>> -> memref<1000000x64xf32, #tpu.memory_space<hbm>>
      tpu.enqueue_indirect_dma source(%dma_start3A_111 : memref<1000000x64xf32, #tpu.memory_space<hbm>>) target(%dma_start3A_106 : memref<16x64xf32, #tpu.memory_space<vmem>>) offsets(%dma_start3A_108 : memref<16xi32, #tpu.memory_space<vmem>>) semaphore(%arg18 : memref<!tpu.dma_semaphore, #tpu.memory_space<semaphore_mem>>) {add = true}
      %dma_wait3A_112 = tpu.memref_slice %arg2[%add3A_51] : memref<204800xi32, #tpu.memory_space<hbm>> -> memref<400xi32, #tpu.memory_space<hbm>>
      %dma_wait3A_113 = tpu.memref_slice %arg2[%add3A_51] : memref<204800xi32, #tpu.memory_space<hbm>> -> memref<400xi32, #tpu.memory_space<hbm>>
      tpu.wait_dma2 semaphore(%arg15 : memref<!tpu.dma_semaphore, #tpu.memory_space<semaphore_mem>>) src(%dma_wait3A_113 : memref<400xi32, #tpu.memory_space<hbm>>) dst(%arg7 : memref<400xi32, #tpu.memory_space<vmem>>)
      tpu.wait_dma2 semaphore(%arg15 : memref<!tpu.dma_semaphore, #tpu.memory_space<semaphore_mem>>) src(%arg4 : memref<400x64xf32, #tpu.memory_space<hbm>>) dst(%arg11 : memref<400x64xf32, #tpu.memory_space<vmem>>)
      %dma_start3A_114 = arith.constant 0 : i32
      %dma_start3A_115 = arith.constant 0 : i32
      %dma_start3A_116 = tpu.memref_slice %arg11[%dma_start3A_114, %dma_start3A_115] : memref<400x64xf32, #tpu.memory_space<vmem>> -> memref<128x64xf32, #tpu.memory_space<vmem>>
      %dma_start3A_117 = arith.constant 0 : i32
      %dma_start3A_118 = tpu.memref_slice %arg7[%dma_start3A_117] : memref<400xi32, #tpu.memory_space<vmem>> -> memref<128xi32, #tpu.memory_space<vmem>>
      %dma_start3A_119 = arith.constant 0 : i32
      %dma_start3A_120 = arith.constant 0 : i32
      %dma_start3A_121 = tpu.memref_slice %arg3[%dma_start3A_119, %dma_start3A_120] : memref<1000000x64xf32, #tpu.memory_space<hbm>> -> memref<1000000x64xf32, #tpu.memory_space<hbm>>
      tpu.enqueue_indirect_dma source(%dma_start3A_121 : memref<1000000x64xf32, #tpu.memory_space<hbm>>) target(%dma_start3A_116 : memref<128x64xf32, #tpu.memory_space<vmem>>) offsets(%dma_start3A_118 : memref<128xi32, #tpu.memory_space<vmem>>) semaphore(%arg19 : memref<!tpu.dma_semaphore, #tpu.memory_space<semaphore_mem>>) {add = true}
      %dma_start3A_122 = arith.constant 128 : i32
      %dma_start3A_123 = arith.constant 0 : i32
      %dma_start3A_124 = tpu.memref_slice %arg11[%dma_start3A_122, %dma_start3A_123] : memref<400x64xf32, #tpu.memory_space<vmem>> -> memref<128x64xf32, #tpu.memory_space<vmem>>
      %dma_start3A_125 = arith.constant 128 : i32
      %dma_start3A_126 = tpu.memref_slice %arg7[%dma_start3A_125] : memref<400xi32, #tpu.memory_space<vmem>> -> memref<128xi32, #tpu.memory_space<vmem>>
      %dma_start3A_127 = arith.constant 0 : i32
      %dma_start3A_128 = arith.constant 0 : i32
      %dma_start3A_129 = tpu.memref_slice %arg3[%dma_start3A_127, %dma_start3A_128] : memref<1000000x64xf32, #tpu.memory_space<hbm>> -> memref<1000000x64xf32, #tpu.memory_space<hbm>>
      tpu.enqueue_indirect_dma source(%dma_start3A_129 : memref<1000000x64xf32, #tpu.memory_space<hbm>>) target(%dma_start3A_124 : memref<128x64xf32, #tpu.memory_space<vmem>>) offsets(%dma_start3A_126 : memref<128xi32, #tpu.memory_space<vmem>>) semaphore(%arg19 : memref<!tpu.dma_semaphore, #tpu.memory_space<semaphore_mem>>) {add = true}
      %dma_start3A_130 = arith.constant 256 : i32
      %dma_start3A_131 = arith.constant 0 : i32
      %dma_start3A_132 = tpu.memref_slice %arg11[%dma_start3A_130, %dma_start3A_131] : memref<400x64xf32, #tpu.memory_space<vmem>> -> memref<128x64xf32, #tpu.memory_space<vmem>>
      %dma_start3A_133 = arith.constant 256 : i32
      %dma_start3A_134 = tpu.memref_slice %arg7[%dma_start3A_133] : memref<400xi32, #tpu.memory_space<vmem>> -> memref<128xi32, #tpu.memory_space<vmem>>
      %dma_start3A_135 = arith.constant 0 : i32
      %dma_start3A_136 = arith.constant 0 : i32
      %dma_start3A_137 = tpu.memref_slice %arg3[%dma_start3A_135, %dma_start3A_136] : memref<1000000x64xf32, #tpu.memory_space<hbm>> -> memref<1000000x64xf32, #tpu.memory_space<hbm>>
      tpu.enqueue_indirect_dma source(%dma_start3A_137 : memref<1000000x64xf32, #tpu.memory_space<hbm>>) target(%dma_start3A_132 : memref<128x64xf32, #tpu.memory_space<vmem>>) offsets(%dma_start3A_134 : memref<128xi32, #tpu.memory_space<vmem>>) semaphore(%arg19 : memref<!tpu.dma_semaphore, #tpu.memory_space<semaphore_mem>>) {add = true}
      %dma_start3A_138 = arith.constant 384 : i32
      %dma_start3A_139 = arith.constant 0 : i32
      %dma_start3A_140 = tpu.memref_slice %arg11[%dma_start3A_138, %dma_start3A_139] : memref<400x64xf32, #tpu.memory_space<vmem>> -> memref<16x64xf32, #tpu.memory_space<vmem>>
      %dma_start3A_141 = arith.constant 384 : i32
      %dma_start3A_142 = tpu.memref_slice %arg7[%dma_start3A_141] : memref<400xi32, #tpu.memory_space<vmem>> -> memref<16xi32, #tpu.memory_space<vmem>>
      %dma_start3A_143 = arith.constant 0 : i32
      %dma_start3A_144 = arith.constant 0 : i32
      %dma_start3A_145 = tpu.memref_slice %arg3[%dma_start3A_143, %dma_start3A_144] : memref<1000000x64xf32, #tpu.memory_space<hbm>> -> memref<1000000x64xf32, #tpu.memory_space<hbm>>
      tpu.enqueue_indirect_dma source(%dma_start3A_145 : memref<1000000x64xf32, #tpu.memory_space<hbm>>) target(%dma_start3A_140 : memref<16x64xf32, #tpu.memory_space<vmem>>) offsets(%dma_start3A_142 : memref<16xi32, #tpu.memory_space<vmem>>) semaphore(%arg19 : memref<!tpu.dma_semaphore, #tpu.memory_space<semaphore_mem>>) {add = true}
      %dma_wait3A_146 = tpu.memref_slice %arg2[%add3A_63] : memref<204800xi32, #tpu.memory_space<hbm>> -> memref<400xi32, #tpu.memory_space<hbm>>
      %dma_wait3A_147 = tpu.memref_slice %arg2[%add3A_63] : memref<204800xi32, #tpu.memory_space<hbm>> -> memref<400xi32, #tpu.memory_space<hbm>>
      tpu.wait_dma2 semaphore(%arg16 : memref<!tpu.dma_semaphore, #tpu.memory_space<semaphore_mem>>) src(%dma_wait3A_147 : memref<400xi32, #tpu.memory_space<hbm>>) dst(%arg8 : memref<400xi32, #tpu.memory_space<vmem>>)
      tpu.wait_dma2 semaphore(%arg16 : memref<!tpu.dma_semaphore, #tpu.memory_space<semaphore_mem>>) src(%arg4 : memref<400x64xf32, #tpu.memory_space<hbm>>) dst(%arg12 : memref<400x64xf32, #tpu.memory_space<vmem>>)
      %dma_start3A_148 = arith.constant 0 : i32
      %dma_start3A_149 = arith.constant 0 : i32
      %dma_start3A_150 = tpu.memref_slice %arg12[%dma_start3A_148, %dma_start3A_149] : memref<400x64xf32, #tpu.memory_space<vmem>> -> memref<128x64xf32, #tpu.memory_space<vmem>>
      %dma_start3A_151 = arith.constant 0 : i32
      %dma_start3A_152 = tpu.memref_slice %arg8[%dma_start3A_151] : memref<400xi32, #tpu.memory_space<vmem>> -> memref<128xi32, #tpu.memory_space<vmem>>
      %dma_start3A_153 = arith.constant 0 : i32
      %dma_start3A_154 = arith.constant 0 : i32
      %dma_start3A_155 = tpu.memref_slice %arg3[%dma_start3A_153, %dma_start3A_154] : memref<1000000x64xf32, #tpu.memory_space<hbm>> -> memref<1000000x64xf32, #tpu.memory_space<hbm>>
      tpu.enqueue_indirect_dma source(%dma_start3A_155 : memref<1000000x64xf32, #tpu.memory_space<hbm>>) target(%dma_start3A_150 : memref<128x64xf32, #tpu.memory_space<vmem>>) offsets(%dma_start3A_152 : memref<128xi32, #tpu.memory_space<vmem>>) semaphore(%arg20 : memref<!tpu.dma_semaphore, #tpu.memory_space<semaphore_mem>>) {add = true}
      %dma_start3A_156 = arith.constant 128 : i32
      %dma_start3A_157 = arith.constant 0 : i32
      %dma_start3A_158 = tpu.memref_slice %arg12[%dma_start3A_156, %dma_start3A_157] : memref<400x64xf32, #tpu.memory_space<vmem>> -> memref<128x64xf32, #tpu.memory_space<vmem>>
      %dma_start3A_159 = arith.constant 128 : i32
      %dma_start3A_160 = tpu.memref_slice %arg8[%dma_start3A_159] : memref<400xi32, #tpu.memory_space<vmem>> -> memref<128xi32, #tpu.memory_space<vmem>>
      %dma_start3A_161 = arith.constant 0 : i32
      %dma_start3A_162 = arith.constant 0 : i32
      %dma_start3A_163 = tpu.memref_slice %arg3[%dma_start3A_161, %dma_start3A_162] : memref<1000000x64xf32, #tpu.memory_space<hbm>> -> memref<1000000x64xf32, #tpu.memory_space<hbm>>
      tpu.enqueue_indirect_dma source(%dma_start3A_163 : memref<1000000x64xf32, #tpu.memory_space<hbm>>) target(%dma_start3A_158 : memref<128x64xf32, #tpu.memory_space<vmem>>) offsets(%dma_start3A_160 : memref<128xi32, #tpu.memory_space<vmem>>) semaphore(%arg20 : memref<!tpu.dma_semaphore, #tpu.memory_space<semaphore_mem>>) {add = true}
      %dma_start3A_164 = arith.constant 256 : i32
      %dma_start3A_165 = arith.constant 0 : i32
      %dma_start3A_166 = tpu.memref_slice %arg12[%dma_start3A_164, %dma_start3A_165] : memref<400x64xf32, #tpu.memory_space<vmem>> -> memref<128x64xf32, #tpu.memory_space<vmem>>
      %dma_start3A_167 = arith.constant 256 : i32
      %dma_start3A_168 = tpu.memref_slice %arg8[%dma_start3A_167] : memref<400xi32, #tpu.memory_space<vmem>> -> memref<128xi32, #tpu.memory_space<vmem>>
      %dma_start3A_169 = arith.constant 0 : i32
      %dma_start3A_170 = arith.constant 0 : i32
      %dma_start3A_171 = tpu.memref_slice %arg3[%dma_start3A_169, %dma_start3A_170] : memref<1000000x64xf32, #tpu.memory_space<hbm>> -> memref<1000000x64xf32, #tpu.memory_space<hbm>>
      tpu.enqueue_indirect_dma source(%dma_start3A_171 : memref<1000000x64xf32, #tpu.memory_space<hbm>>) target(%dma_start3A_166 : memref<128x64xf32, #tpu.memory_space<vmem>>) offsets(%dma_start3A_168 : memref<128xi32, #tpu.memory_space<vmem>>) semaphore(%arg20 : memref<!tpu.dma_semaphore, #tpu.memory_space<semaphore_mem>>) {add = true}
      %dma_start3A_172 = arith.constant 384 : i32
      %dma_start3A_173 = arith.constant 0 : i32
      %dma_start3A_174 = tpu.memref_slice %arg12[%dma_start3A_172, %dma_start3A_173] : memref<400x64xf32, #tpu.memory_space<vmem>> -> memref<16x64xf32, #tpu.memory_space<vmem>>
      %dma_start3A_175 = arith.constant 384 : i32
      %dma_start3A_176 = tpu.memref_slice %arg8[%dma_start3A_175] : memref<400xi32, #tpu.memory_space<vmem>> -> memref<16xi32, #tpu.memory_space<vmem>>
      %dma_start3A_177 = arith.constant 0 : i32
      %dma_start3A_178 = arith.constant 0 : i32
      %dma_start3A_179 = tpu.memref_slice %arg3[%dma_start3A_177, %dma_start3A_178] : memref<1000000x64xf32, #tpu.memory_space<hbm>> -> memref<1000000x64xf32, #tpu.memory_space<hbm>>
      tpu.enqueue_indirect_dma source(%dma_start3A_179 : memref<1000000x64xf32, #tpu.memory_space<hbm>>) target(%dma_start3A_174 : memref<16x64xf32, #tpu.memory_space<vmem>>) offsets(%dma_start3A_176 : memref<16xi32, #tpu.memory_space<vmem>>) semaphore(%arg20 : memref<!tpu.dma_semaphore, #tpu.memory_space<semaphore_mem>>) {add = true}
      %dma_wait3A_180 = tpu.memref_slice %arg2[%add3A_75] : memref<204800xi32, #tpu.memory_space<hbm>> -> memref<400xi32, #tpu.memory_space<hbm>>
      %dma_wait3A_181 = tpu.memref_slice %arg2[%add3A_75] : memref<204800xi32, #tpu.memory_space<hbm>> -> memref<400xi32, #tpu.memory_space<hbm>>
      tpu.wait_dma2 semaphore(%arg17 : memref<!tpu.dma_semaphore, #tpu.memory_space<semaphore_mem>>) src(%dma_wait3A_181 : memref<400xi32, #tpu.memory_space<hbm>>) dst(%arg9 : memref<400xi32, #tpu.memory_space<vmem>>)
      tpu.wait_dma2 semaphore(%arg17 : memref<!tpu.dma_semaphore, #tpu.memory_space<semaphore_mem>>) src(%arg4 : memref<400x64xf32, #tpu.memory_space<hbm>>) dst(%arg13 : memref<400x64xf32, #tpu.memory_space<vmem>>)
      %dma_start3A_182 = arith.constant 0 : i32
      %dma_start3A_183 = arith.constant 0 : i32
      %dma_start3A_184 = tpu.memref_slice %arg13[%dma_start3A_182, %dma_start3A_183] : memref<400x64xf32, #tpu.memory_space<vmem>> -> memref<128x64xf32, #tpu.memory_space<vmem>>
      %dma_start3A_185 = arith.constant 0 : i32
      %dma_start3A_186 = tpu.memref_slice %arg9[%dma_start3A_185] : memref<400xi32, #tpu.memory_space<vmem>> -> memref<128xi32, #tpu.memory_space<vmem>>
      %dma_start3A_187 = arith.constant 0 : i32
      %dma_start3A_188 = arith.constant 0 : i32
      %dma_start3A_189 = tpu.memref_slice %arg3[%dma_start3A_187, %dma_start3A_188] : memref<1000000x64xf32, #tpu.memory_space<hbm>> -> memref<1000000x64xf32, #tpu.memory_space<hbm>>
      tpu.enqueue_indirect_dma source(%dma_start3A_189 : memref<1000000x64xf32, #tpu.memory_space<hbm>>) target(%dma_start3A_184 : memref<128x64xf32, #tpu.memory_space<vmem>>) offsets(%dma_start3A_186 : memref<128xi32, #tpu.memory_space<vmem>>) semaphore(%arg21 : memref<!tpu.dma_semaphore, #tpu.memory_space<semaphore_mem>>) {add = true}
      %dma_start3A_190 = arith.constant 128 : i32
      %dma_start3A_191 = arith.constant 0 : i32
      %dma_start3A_192 = tpu.memref_slice %arg13[%dma_start3A_190, %dma_start3A_191] : memref<400x64xf32, #tpu.memory_space<vmem>> -> memref<128x64xf32, #tpu.memory_space<vmem>>
      %dma_start3A_193 = arith.constant 128 : i32
      %dma_start3A_194 = tpu.memref_slice %arg9[%dma_start3A_193] : memref<400xi32, #tpu.memory_space<vmem>> -> memref<128xi32, #tpu.memory_space<vmem>>
      %dma_start3A_195 = arith.constant 0 : i32
      %dma_start3A_196 = arith.constant 0 : i32
      %dma_start3A_197 = tpu.memref_slice %arg3[%dma_start3A_195, %dma_start3A_196] : memref<1000000x64xf32, #tpu.memory_space<hbm>> -> memref<1000000x64xf32, #tpu.memory_space<hbm>>
      tpu.enqueue_indirect_dma source(%dma_start3A_197 : memref<1000000x64xf32, #tpu.memory_space<hbm>>) target(%dma_start3A_192 : memref<128x64xf32, #tpu.memory_space<vmem>>) offsets(%dma_start3A_194 : memref<128xi32, #tpu.memory_space<vmem>>) semaphore(%arg21 : memref<!tpu.dma_semaphore, #tpu.memory_space<semaphore_mem>>) {add = true}
      %dma_start3A_198 = arith.constant 256 : i32
      %dma_start3A_199 = arith.constant 0 : i32
      %dma_start3A_200 = tpu.memref_slice %arg13[%dma_start3A_198, %dma_start3A_199] : memref<400x64xf32, #tpu.memory_space<vmem>> -> memref<128x64xf32, #tpu.memory_space<vmem>>
      %dma_start3A_201 = arith.constant 256 : i32
      %dma_start3A_202 = tpu.memref_slice %arg9[%dma_start3A_201] : memref<400xi32, #tpu.memory_space<vmem>> -> memref<128xi32, #tpu.memory_space<vmem>>
      %dma_start3A_203 = arith.constant 0 : i32
      %dma_start3A_204 = arith.constant 0 : i32
      %dma_start3A_205 = tpu.memref_slice %arg3[%dma_start3A_203, %dma_start3A_204] : memref<1000000x64xf32, #tpu.memory_space<hbm>> -> memref<1000000x64xf32, #tpu.memory_space<hbm>>
      tpu.enqueue_indirect_dma source(%dma_start3A_205 : memref<1000000x64xf32, #tpu.memory_space<hbm>>) target(%dma_start3A_200 : memref<128x64xf32, #tpu.memory_space<vmem>>) offsets(%dma_start3A_202 : memref<128xi32, #tpu.memory_space<vmem>>) semaphore(%arg21 : memref<!tpu.dma_semaphore, #tpu.memory_space<semaphore_mem>>) {add = true}
      %dma_start3A_206 = arith.constant 384 : i32
      %dma_start3A_207 = arith.constant 0 : i32
      %dma_start3A_208 = tpu.memref_slice %arg13[%dma_start3A_206, %dma_start3A_207] : memref<400x64xf32, #tpu.memory_space<vmem>> -> memref<16x64xf32, #tpu.memory_space<vmem>>
      %dma_start3A_209 = arith.constant 384 : i32
      %dma_start3A_210 = tpu.memref_slice %arg9[%dma_start3A_209] : memref<400xi32, #tpu.memory_space<vmem>> -> memref<16xi32, #tpu.memory_space<vmem>>
      %dma_start3A_211 = arith.constant 0 : i32
      %dma_start3A_212 = arith.constant 0 : i32
      %dma_start3A_213 = tpu.memref_slice %arg3[%dma_start3A_211, %dma_start3A_212] : memref<1000000x64xf32, #tpu.memory_space<hbm>> -> memref<1000000x64xf32, #tpu.memory_space<hbm>>
      tpu.enqueue_indirect_dma source(%dma_start3A_213 : memref<1000000x64xf32, #tpu.memory_space<hbm>>) target(%dma_start3A_208 : memref<16x64xf32, #tpu.memory_space<vmem>>) offsets(%dma_start3A_210 : memref<16xi32, #tpu.memory_space<vmem>>) semaphore(%arg21 : memref<!tpu.dma_semaphore, #tpu.memory_space<semaphore_mem>>) {add = true}
      %dma_wait3A_214 = arith.constant 0 : i32
      %dma_wait3A_215 = arith.constant 0 : i32
      %dma_wait3A_216 = tpu.memref_slice %arg10[%dma_wait3A_214, %dma_wait3A_215] : memref<400x64xf32, #tpu.memory_space<vmem>> -> memref<128x64xf32, #tpu.memory_space<vmem>>
      %dma_wait3A_217 = arith.constant 0 : i32
      %dma_wait3A_218 = tpu.memref_slice %arg6[%dma_wait3A_217] : memref<400xi32, #tpu.memory_space<vmem>> -> memref<128xi32, #tpu.memory_space<vmem>>
      %dma_wait3A_219 = arith.constant 0 : i32
      %dma_wait3A_220 = arith.constant 0 : i32
      %dma_wait3A_221 = tpu.memref_slice %arg3[%dma_wait3A_219, %dma_wait3A_220] : memref<1000000x64xf32, #tpu.memory_space<hbm>> -> memref<1000000x64xf32, #tpu.memory_space<hbm>>
      tpu.wait_indirect_dma semaphore(%arg18 : memref<!tpu.dma_semaphore, #tpu.memory_space<semaphore_mem>>) src(%dma_wait3A_221 : memref<1000000x64xf32, #tpu.memory_space<hbm>>) dst(%dma_wait3A_216 : memref<128x64xf32, #tpu.memory_space<vmem>>)
      %dma_wait3A_222 = arith.constant 128 : i32
      %dma_wait3A_223 = arith.constant 0 : i32
      %dma_wait3A_224 = tpu.memref_slice %arg10[%dma_wait3A_222, %dma_wait3A_223] : memref<400x64xf32, #tpu.memory_space<vmem>> -> memref<128x64xf32, #tpu.memory_space<vmem>>
      %dma_wait3A_225 = arith.constant 128 : i32
      %dma_wait3A_226 = tpu.memref_slice %arg6[%dma_wait3A_225] : memref<400xi32, #tpu.memory_space<vmem>> -> memref<128xi32, #tpu.memory_space<vmem>>
      %dma_wait3A_227 = arith.constant 0 : i32
      %dma_wait3A_228 = arith.constant 0 : i32
      %dma_wait3A_229 = tpu.memref_slice %arg3[%dma_wait3A_227, %dma_wait3A_228] : memref<1000000x64xf32, #tpu.memory_space<hbm>> -> memref<1000000x64xf32, #tpu.memory_space<hbm>>
      tpu.wait_indirect_dma semaphore(%arg18 : memref<!tpu.dma_semaphore, #tpu.memory_space<semaphore_mem>>) src(%dma_wait3A_229 : memref<1000000x64xf32, #tpu.memory_space<hbm>>) dst(%dma_wait3A_224 : memref<128x64xf32, #tpu.memory_space<vmem>>)
      %dma_wait3A_230 = arith.constant 256 : i32
      %dma_wait3A_231 = arith.constant 0 : i32
      %dma_wait3A_232 = tpu.memref_slice %arg10[%dma_wait3A_230, %dma_wait3A_231] : memref<400x64xf32, #tpu.memory_space<vmem>> -> memref<128x64xf32, #tpu.memory_space<vmem>>
      %dma_wait3A_233 = arith.constant 256 : i32
      %dma_wait3A_234 = tpu.memref_slice %arg6[%dma_wait3A_233] : memref<400xi32, #tpu.memory_space<vmem>> -> memref<128xi32, #tpu.memory_space<vmem>>
      %dma_wait3A_235 = arith.constant 0 : i32
      %dma_wait3A_236 = arith.constant 0 : i32
      %dma_wait3A_237 = tpu.memref_slice %arg3[%dma_wait3A_235, %dma_wait3A_236] : memref<1000000x64xf32, #tpu.memory_space<hbm>> -> memref<1000000x64xf32, #tpu.memory_space<hbm>>
      tpu.wait_indirect_dma semaphore(%arg18 : memref<!tpu.dma_semaphore, #tpu.memory_space<semaphore_mem>>) src(%dma_wait3A_237 : memref<1000000x64xf32, #tpu.memory_space<hbm>>) dst(%dma_wait3A_232 : memref<128x64xf32, #tpu.memory_space<vmem>>)
      %dma_wait3A_238 = arith.constant 384 : i32
      %dma_wait3A_239 = arith.constant 0 : i32
      %dma_wait3A_240 = tpu.memref_slice %arg10[%dma_wait3A_238, %dma_wait3A_239] : memref<400x64xf32, #tpu.memory_space<vmem>> -> memref<16x64xf32, #tpu.memory_space<vmem>>
      %dma_wait3A_241 = arith.constant 384 : i32
      %dma_wait3A_242 = tpu.memref_slice %arg6[%dma_wait3A_241] : memref<400xi32, #tpu.memory_space<vmem>> -> memref<16xi32, #tpu.memory_space<vmem>>
      %dma_wait3A_243 = arith.constant 0 : i32
      %dma_wait3A_244 = arith.constant 0 : i32
      %dma_wait3A_245 = tpu.memref_slice %arg3[%dma_wait3A_243, %dma_wait3A_244] : memref<1000000x64xf32, #tpu.memory_space<hbm>> -> memref<1000000x64xf32, #tpu.memory_space<hbm>>
      tpu.wait_indirect_dma semaphore(%arg18 : memref<!tpu.dma_semaphore, #tpu.memory_space<semaphore_mem>>) src(%dma_wait3A_245 : memref<1000000x64xf32, #tpu.memory_space<hbm>>) dst(%dma_wait3A_240 : memref<16x64xf32, #tpu.memory_space<vmem>>)
      %add3A_246 = arith.constant 0 : i32
      %add3A_247 = arith.addi %mul3A_33, %add3A_246 : i32
      %mul3A_248 = arith.constant 400 : i32
      %mul3A_249 = arith.muli %add3A_247, %mul3A_248 : i32
      %add3A_250 = arith.addi %mul3A_2, %mul3A_249 : i32
      %dma_start3A_251 = arith.constant 0 : i32
      %dma_start3A_252 = tpu.memref_slice %arg5[%add3A_250, %dma_start3A_251] : memref<204800x64xf32, #tpu.memory_space<hbm>> -> memref<400x64xf32, #tpu.memory_space<hbm>>
      %dma_start3A_253 = arith.constant 0 : i32
      %dma_start3A_254 = tpu.memref_slice %arg5[%add3A_250, %dma_start3A_253] : memref<204800x64xf32, #tpu.memory_space<hbm>> -> memref<400x64xf32, #tpu.memory_space<hbm>>
      tpu.enqueue_dma source(%arg10 : memref<400x64xf32, #tpu.memory_space<vmem>>) target(%dma_start3A_254 : memref<400x64xf32, #tpu.memory_space<hbm>>) target_semaphore(%arg22 : memref<!tpu.dma_semaphore, #tpu.memory_space<semaphore_mem>>)
      %dma_wait3A_255 = arith.constant 0 : i32
      %dma_wait3A_256 = arith.constant 0 : i32
      %dma_wait3A_257 = tpu.memref_slice %arg11[%dma_wait3A_255, %dma_wait3A_256] : memref<400x64xf32, #tpu.memory_space<vmem>> -> memref<128x64xf32, #tpu.memory_space<vmem>>
      %dma_wait3A_258 = arith.constant 0 : i32
      %dma_wait3A_259 = tpu.memref_slice %arg7[%dma_wait3A_258] : memref<400xi32, #tpu.memory_space<vmem>> -> memref<128xi32, #tpu.memory_space<vmem>>
      %dma_wait3A_260 = arith.constant 0 : i32
      %dma_wait3A_261 = arith.constant 0 : i32
      %dma_wait3A_262 = tpu.memref_slice %arg3[%dma_wait3A_260, %dma_wait3A_261] : memref<1000000x64xf32, #tpu.memory_space<hbm>> -> memref<1000000x64xf32, #tpu.memory_space<hbm>>
      tpu.wait_indirect_dma semaphore(%arg19 : memref<!tpu.dma_semaphore, #tpu.memory_space<semaphore_mem>>) src(%dma_wait3A_262 : memref<1000000x64xf32, #tpu.memory_space<hbm>>) dst(%dma_wait3A_257 : memref<128x64xf32, #tpu.memory_space<vmem>>)
      %dma_wait3A_263 = arith.constant 128 : i32
      %dma_wait3A_264 = arith.constant 0 : i32
      %dma_wait3A_265 = tpu.memref_slice %arg11[%dma_wait3A_263, %dma_wait3A_264] : memref<400x64xf32, #tpu.memory_space<vmem>> -> memref<128x64xf32, #tpu.memory_space<vmem>>
      %dma_wait3A_266 = arith.constant 128 : i32
      %dma_wait3A_267 = tpu.memref_slice %arg7[%dma_wait3A_266] : memref<400xi32, #tpu.memory_space<vmem>> -> memref<128xi32, #tpu.memory_space<vmem>>
      %dma_wait3A_268 = arith.constant 0 : i32
      %dma_wait3A_269 = arith.constant 0 : i32
      %dma_wait3A_270 = tpu.memref_slice %arg3[%dma_wait3A_268, %dma_wait3A_269] : memref<1000000x64xf32, #tpu.memory_space<hbm>> -> memref<1000000x64xf32, #tpu.memory_space<hbm>>
      tpu.wait_indirect_dma semaphore(%arg19 : memref<!tpu.dma_semaphore, #tpu.memory_space<semaphore_mem>>) src(%dma_wait3A_270 : memref<1000000x64xf32, #tpu.memory_space<hbm>>) dst(%dma_wait3A_265 : memref<128x64xf32, #tpu.memory_space<vmem>>)
      %dma_wait3A_271 = arith.constant 256 : i32
      %dma_wait3A_272 = arith.constant 0 : i32
      %dma_wait3A_273 = tpu.memref_slice %arg11[%dma_wait3A_271, %dma_wait3A_272] : memref<400x64xf32, #tpu.memory_space<vmem>> -> memref<128x64xf32, #tpu.memory_space<vmem>>
      %dma_wait3A_274 = arith.constant 256 : i32
      %dma_wait3A_275 = tpu.memref_slice %arg7[%dma_wait3A_274] : memref<400xi32, #tpu.memory_space<vmem>> -> memref<128xi32, #tpu.memory_space<vmem>>
      %dma_wait3A_276 = arith.constant 0 : i32
      %dma_wait3A_277 = arith.constant 0 : i32
      %dma_wait3A_278 = tpu.memref_slice %arg3[%dma_wait3A_276, %dma_wait3A_277] : memref<1000000x64xf32, #tpu.memory_space<hbm>> -> memref<1000000x64xf32, #tpu.memory_space<hbm>>
      tpu.wait_indirect_dma semaphore(%arg19 : memref<!tpu.dma_semaphore, #tpu.memory_space<semaphore_mem>>) src(%dma_wait3A_278 : memref<1000000x64xf32, #tpu.memory_space<hbm>>) dst(%dma_wait3A_273 : memref<128x64xf32, #tpu.memory_space<vmem>>)
      %dma_wait3A_279 = arith.constant 384 : i32
      %dma_wait3A_280 = arith.constant 0 : i32
      %dma_wait3A_281 = tpu.memref_slice %arg11[%dma_wait3A_279, %dma_wait3A_280] : memref<400x64xf32, #tpu.memory_space<vmem>> -> memref<16x64xf32, #tpu.memory_space<vmem>>
      %dma_wait3A_282 = arith.constant 384 : i32
      %dma_wait3A_283 = tpu.memref_slice %arg7[%dma_wait3A_282] : memref<400xi32, #tpu.memory_space<vmem>> -> memref<16xi32, #tpu.memory_space<vmem>>
      %dma_wait3A_284 = arith.constant 0 : i32
      %dma_wait3A_285 = arith.constant 0 : i32
      %dma_wait3A_286 = tpu.memref_slice %arg3[%dma_wait3A_284, %dma_wait3A_285] : memref<1000000x64xf32, #tpu.memory_space<hbm>> -> memref<1000000x64xf32, #tpu.memory_space<hbm>>
      tpu.wait_indirect_dma semaphore(%arg19 : memref<!tpu.dma_semaphore, #tpu.memory_space<semaphore_mem>>) src(%dma_wait3A_286 : memref<1000000x64xf32, #tpu.memory_space<hbm>>) dst(%dma_wait3A_281 : memref<16x64xf32, #tpu.memory_space<vmem>>)
      %add3A_287 = arith.constant 1 : i32
      %add3A_288 = arith.addi %mul3A_33, %add3A_287 : i32
      %mul3A_289 = arith.constant 400 : i32
      %mul3A_290 = arith.muli %add3A_288, %mul3A_289 : i32
      %add3A_291 = arith.addi %mul3A_2, %mul3A_290 : i32
      %dma_start3A_292 = arith.constant 0 : i32
      %dma_start3A_293 = tpu.memref_slice %arg5[%add3A_291, %dma_start3A_292] : memref<204800x64xf32, #tpu.memory_space<hbm>> -> memref<400x64xf32, #tpu.memory_space<hbm>>
      %dma_start3A_294 = arith.constant 0 : i32
      %dma_start3A_295 = tpu.memref_slice %arg5[%add3A_291, %dma_start3A_294] : memref<204800x64xf32, #tpu.memory_space<hbm>> -> memref<400x64xf32, #tpu.memory_space<hbm>>
      tpu.enqueue_dma source(%arg11 : memref<400x64xf32, #tpu.memory_space<vmem>>) target(%dma_start3A_295 : memref<400x64xf32, #tpu.memory_space<hbm>>) target_semaphore(%arg23 : memref<!tpu.dma_semaphore, #tpu.memory_space<semaphore_mem>>)
      %dma_wait3A_296 = arith.constant 0 : i32
      %dma_wait3A_297 = arith.constant 0 : i32
      %dma_wait3A_298 = tpu.memref_slice %arg12[%dma_wait3A_296, %dma_wait3A_297] : memref<400x64xf32, #tpu.memory_space<vmem>> -> memref<128x64xf32, #tpu.memory_space<vmem>>
      %dma_wait3A_299 = arith.constant 0 : i32
      %dma_wait3A_300 = tpu.memref_slice %arg8[%dma_wait3A_299] : memref<400xi32, #tpu.memory_space<vmem>> -> memref<128xi32, #tpu.memory_space<vmem>>
      %dma_wait3A_301 = arith.constant 0 : i32
      %dma_wait3A_302 = arith.constant 0 : i32
      %dma_wait3A_303 = tpu.memref_slice %arg3[%dma_wait3A_301, %dma_wait3A_302] : memref<1000000x64xf32, #tpu.memory_space<hbm>> -> memref<1000000x64xf32, #tpu.memory_space<hbm>>
      tpu.wait_indirect_dma semaphore(%arg20 : memref<!tpu.dma_semaphore, #tpu.memory_space<semaphore_mem>>) src(%dma_wait3A_303 : memref<1000000x64xf32, #tpu.memory_space<hbm>>) dst(%dma_wait3A_298 : memref<128x64xf32, #tpu.memory_space<vmem>>)
      %dma_wait3A_304 = arith.constant 128 : i32
      %dma_wait3A_305 = arith.constant 0 : i32
      %dma_wait3A_306 = tpu.memref_slice %arg12[%dma_wait3A_304, %dma_wait3A_305] : memref<400x64xf32, #tpu.memory_space<vmem>> -> memref<128x64xf32, #tpu.memory_space<vmem>>
      %dma_wait3A_307 = arith.constant 128 : i32
      %dma_wait3A_308 = tpu.memref_slice %arg8[%dma_wait3A_307] : memref<400xi32, #tpu.memory_space<vmem>> -> memref<128xi32, #tpu.memory_space<vmem>>
      %dma_wait3A_309 = arith.constant 0 : i32
      %dma_wait3A_310 = arith.constant 0 : i32
      %dma_wait3A_311 = tpu.memref_slice %arg3[%dma_wait3A_309, %dma_wait3A_310] : memref<1000000x64xf32, #tpu.memory_space<hbm>> -> memref<1000000x64xf32, #tpu.memory_space<hbm>>
      tpu.wait_indirect_dma semaphore(%arg20 : memref<!tpu.dma_semaphore, #tpu.memory_space<semaphore_mem>>) src(%dma_wait3A_311 : memref<1000000x64xf32, #tpu.memory_space<hbm>>) dst(%dma_wait3A_306 : memref<128x64xf32, #tpu.memory_space<vmem>>)
      %dma_wait3A_312 = arith.constant 256 : i32
      %dma_wait3A_313 = arith.constant 0 : i32
      %dma_wait3A_314 = tpu.memref_slice %arg12[%dma_wait3A_312, %dma_wait3A_313] : memref<400x64xf32, #tpu.memory_space<vmem>> -> memref<128x64xf32, #tpu.memory_space<vmem>>
      %dma_wait3A_315 = arith.constant 256 : i32
      %dma_wait3A_316 = tpu.memref_slice %arg8[%dma_wait3A_315] : memref<400xi32, #tpu.memory_space<vmem>> -> memref<128xi32, #tpu.memory_space<vmem>>
      %dma_wait3A_317 = arith.constant 0 : i32
      %dma_wait3A_318 = arith.constant 0 : i32
      %dma_wait3A_319 = tpu.memref_slice %arg3[%dma_wait3A_317, %dma_wait3A_318] : memref<1000000x64xf32, #tpu.memory_space<hbm>> -> memref<1000000x64xf32, #tpu.memory_space<hbm>>
      tpu.wait_indirect_dma semaphore(%arg20 : memref<!tpu.dma_semaphore, #tpu.memory_space<semaphore_mem>>) src(%dma_wait3A_319 : memref<1000000x64xf32, #tpu.memory_space<hbm>>) dst(%dma_wait3A_314 : memref<128x64xf32, #tpu.memory_space<vmem>>)
      %dma_wait3A_320 = arith.constant 384 : i32
      %dma_wait3A_321 = arith.constant 0 : i32
      %dma_wait3A_322 = tpu.memref_slice %arg12[%dma_wait3A_320, %dma_wait3A_321] : memref<400x64xf32, #tpu.memory_space<vmem>> -> memref<16x64xf32, #tpu.memory_space<vmem>>
      %dma_wait3A_323 = arith.constant 384 : i32
      %dma_wait3A_324 = tpu.memref_slice %arg8[%dma_wait3A_323] : memref<400xi32, #tpu.memory_space<vmem>> -> memref<16xi32, #tpu.memory_space<vmem>>
      %dma_wait3A_325 = arith.constant 0 : i32
      %dma_wait3A_326 = arith.constant 0 : i32
      %dma_wait3A_327 = tpu.memref_slice %arg3[%dma_wait3A_325, %dma_wait3A_326] : memref<1000000x64xf32, #tpu.memory_space<hbm>> -> memref<1000000x64xf32, #tpu.memory_space<hbm>>
      tpu.wait_indirect_dma semaphore(%arg20 : memref<!tpu.dma_semaphore, #tpu.memory_space<semaphore_mem>>) src(%dma_wait3A_327 : memref<1000000x64xf32, #tpu.memory_space<hbm>>) dst(%dma_wait3A_322 : memref<16x64xf32, #tpu.memory_space<vmem>>)
      %add3A_328 = arith.constant 2 : i32
      %add3A_329 = arith.addi %mul3A_33, %add3A_328 : i32
      %mul3A_330 = arith.constant 400 : i32
      %mul3A_331 = arith.muli %add3A_329, %mul3A_330 : i32
      %add3A_332 = arith.addi %mul3A_2, %mul3A_331 : i32
      %dma_start3A_333 = arith.constant 0 : i32
      %dma_start3A_334 = tpu.memref_slice %arg5[%add3A_332, %dma_start3A_333] : memref<204800x64xf32, #tpu.memory_space<hbm>> -> memref<400x64xf32, #tpu.memory_space<hbm>>
      %dma_start3A_335 = arith.constant 0 : i32
      %dma_start3A_336 = tpu.memref_slice %arg5[%add3A_332, %dma_start3A_335] : memref<204800x64xf32, #tpu.memory_space<hbm>> -> memref<400x64xf32, #tpu.memory_space<hbm>>
      tpu.enqueue_dma source(%arg12 : memref<400x64xf32, #tpu.memory_space<vmem>>) target(%dma_start3A_336 : memref<400x64xf32, #tpu.memory_space<hbm>>) target_semaphore(%arg24 : memref<!tpu.dma_semaphore, #tpu.memory_space<semaphore_mem>>)
      %dma_wait3A_337 = arith.constant 0 : i32
      %dma_wait3A_338 = arith.constant 0 : i32
      %dma_wait3A_339 = tpu.memref_slice %arg13[%dma_wait3A_337, %dma_wait3A_338] : memref<400x64xf32, #tpu.memory_space<vmem>> -> memref<128x64xf32, #tpu.memory_space<vmem>>
      %dma_wait3A_340 = arith.constant 0 : i32
      %dma_wait3A_341 = tpu.memref_slice %arg9[%dma_wait3A_340] : memref<400xi32, #tpu.memory_space<vmem>> -> memref<128xi32, #tpu.memory_space<vmem>>
      %dma_wait3A_342 = arith.constant 0 : i32
      %dma_wait3A_343 = arith.constant 0 : i32
      %dma_wait3A_344 = tpu.memref_slice %arg3[%dma_wait3A_342, %dma_wait3A_343] : memref<1000000x64xf32, #tpu.memory_space<hbm>> -> memref<1000000x64xf32, #tpu.memory_space<hbm>>
      tpu.wait_indirect_dma semaphore(%arg21 : memref<!tpu.dma_semaphore, #tpu.memory_space<semaphore_mem>>) src(%dma_wait3A_344 : memref<1000000x64xf32, #tpu.memory_space<hbm>>) dst(%dma_wait3A_339 : memref<128x64xf32, #tpu.memory_space<vmem>>)
      %dma_wait3A_345 = arith.constant 128 : i32
      %dma_wait3A_346 = arith.constant 0 : i32
      %dma_wait3A_347 = tpu.memref_slice %arg13[%dma_wait3A_345, %dma_wait3A_346] : memref<400x64xf32, #tpu.memory_space<vmem>> -> memref<128x64xf32, #tpu.memory_space<vmem>>
      %dma_wait3A_348 = arith.constant 128 : i32
      %dma_wait3A_349 = tpu.memref_slice %arg9[%dma_wait3A_348] : memref<400xi32, #tpu.memory_space<vmem>> -> memref<128xi32, #tpu.memory_space<vmem>>
      %dma_wait3A_350 = arith.constant 0 : i32
      %dma_wait3A_351 = arith.constant 0 : i32
      %dma_wait3A_352 = tpu.memref_slice %arg3[%dma_wait3A_350, %dma_wait3A_351] : memref<1000000x64xf32, #tpu.memory_space<hbm>> -> memref<1000000x64xf32, #tpu.memory_space<hbm>>
      tpu.wait_indirect_dma semaphore(%arg21 : memref<!tpu.dma_semaphore, #tpu.memory_space<semaphore_mem>>) src(%dma_wait3A_352 : memref<1000000x64xf32, #tpu.memory_space<hbm>>) dst(%dma_wait3A_347 : memref<128x64xf32, #tpu.memory_space<vmem>>)
      %dma_wait3A_353 = arith.constant 256 : i32
      %dma_wait3A_354 = arith.constant 0 : i32
      %dma_wait3A_355 = tpu.memref_slice %arg13[%dma_wait3A_353, %dma_wait3A_354] : memref<400x64xf32, #tpu.memory_space<vmem>> -> memref<128x64xf32, #tpu.memory_space<vmem>>
      %dma_wait3A_356 = arith.constant 256 : i32
      %dma_wait3A_357 = tpu.memref_slice %arg9[%dma_wait3A_356] : memref<400xi32, #tpu.memory_space<vmem>> -> memref<128xi32, #tpu.memory_space<vmem>>
      %dma_wait3A_358 = arith.constant 0 : i32
      %dma_wait3A_359 = arith.constant 0 : i32
      %dma_wait3A_360 = tpu.memref_slice %arg3[%dma_wait3A_358, %dma_wait3A_359] : memref<1000000x64xf32, #tpu.memory_space<hbm>> -> memref<1000000x64xf32, #tpu.memory_space<hbm>>
      tpu.wait_indirect_dma semaphore(%arg21 : memref<!tpu.dma_semaphore, #tpu.memory_space<semaphore_mem>>) src(%dma_wait3A_360 : memref<1000000x64xf32, #tpu.memory_space<hbm>>) dst(%dma_wait3A_355 : memref<128x64xf32, #tpu.memory_space<vmem>>)
      %dma_wait3A_361 = arith.constant 384 : i32
      %dma_wait3A_362 = arith.constant 0 : i32
      %dma_wait3A_363 = tpu.memref_slice %arg13[%dma_wait3A_361, %dma_wait3A_362] : memref<400x64xf32, #tpu.memory_space<vmem>> -> memref<16x64xf32, #tpu.memory_space<vmem>>
      %dma_wait3A_364 = arith.constant 384 : i32
      %dma_wait3A_365 = tpu.memref_slice %arg9[%dma_wait3A_364] : memref<400xi32, #tpu.memory_space<vmem>> -> memref<16xi32, #tpu.memory_space<vmem>>
      %dma_wait3A_366 = arith.constant 0 : i32
      %dma_wait3A_367 = arith.constant 0 : i32
      %dma_wait3A_368 = tpu.memref_slice %arg3[%dma_wait3A_366, %dma_wait3A_367] : memref<1000000x64xf32, #tpu.memory_space<hbm>> -> memref<1000000x64xf32, #tpu.memory_space<hbm>>
      tpu.wait_indirect_dma semaphore(%arg21 : memref<!tpu.dma_semaphore, #tpu.memory_space<semaphore_mem>>) src(%dma_wait3A_368 : memref<1000000x64xf32, #tpu.memory_space<hbm>>) dst(%dma_wait3A_363 : memref<16x64xf32, #tpu.memory_space<vmem>>)
      %add3A_369 = arith.constant 3 : i32
      %add3A_370 = arith.addi %mul3A_33, %add3A_369 : i32
      %mul3A_371 = arith.constant 400 : i32
      %mul3A_372 = arith.muli %add3A_370, %mul3A_371 : i32
      %add3A_373 = arith.addi %mul3A_2, %mul3A_372 : i32
      %dma_start3A_374 = arith.constant 0 : i32
      %dma_start3A_375 = tpu.memref_slice %arg5[%add3A_373, %dma_start3A_374] : memref<204800x64xf32, #tpu.memory_space<hbm>> -> memref<400x64xf32, #tpu.memory_space<hbm>>
      %dma_start3A_376 = arith.constant 0 : i32
      %dma_start3A_377 = tpu.memref_slice %arg5[%add3A_373, %dma_start3A_376] : memref<204800x64xf32, #tpu.memory_space<hbm>> -> memref<400x64xf32, #tpu.memory_space<hbm>>
      tpu.enqueue_dma source(%arg13 : memref<400x64xf32, #tpu.memory_space<vmem>>) target(%dma_start3A_377 : memref<400x64xf32, #tpu.memory_space<hbm>>) target_semaphore(%arg25 : memref<!tpu.dma_semaphore, #tpu.memory_space<semaphore_mem>>)
    }
    %scan3A_7 = arith.constant 4 : i32
    %dma_wait3A = arith.constant 0 : i32
    %dma_wait3A_8 = arith.constant 0 : i32
    %dma_wait3A_9 = tpu.memref_slice %arg5[%dma_wait3A, %dma_wait3A_8] : memref<204800x64xf32, #tpu.memory_space<hbm>> -> memref<400x64xf32, #tpu.memory_space<hbm>>
    %dma_wait3A_10 = arith.constant 0 : i32
    %dma_wait3A_11 = arith.constant 0 : i32
    %dma_wait3A_12 = tpu.memref_slice %arg5[%dma_wait3A_10, %dma_wait3A_11] : memref<204800x64xf32, #tpu.memory_space<hbm>> -> memref<400x64xf32, #tpu.memory_space<hbm>>
    tpu.wait_dma2 semaphore(%arg22 : memref<!tpu.dma_semaphore, #tpu.memory_space<semaphore_mem>>) src(%arg10 : memref<400x64xf32, #tpu.memory_space<vmem>>) dst(%dma_wait3A_12 : memref<400x64xf32, #tpu.memory_space<hbm>>)
    %dma_wait3A_13 = arith.constant 0 : i32
    %dma_wait3A_14 = arith.constant 0 : i32
    %dma_wait3A_15 = tpu.memref_slice %arg5[%dma_wait3A_13, %dma_wait3A_14] : memref<204800x64xf32, #tpu.memory_space<hbm>> -> memref<400x64xf32, #tpu.memory_space<hbm>>
    %dma_wait3A_16 = arith.constant 0 : i32
    %dma_wait3A_17 = arith.constant 0 : i32
    %dma_wait3A_18 = tpu.memref_slice %arg5[%dma_wait3A_16, %dma_wait3A_17] : memref<204800x64xf32, #tpu.memory_space<hbm>> -> memref<400x64xf32, #tpu.memory_space<hbm>>
    tpu.wait_dma2 semaphore(%arg23 : memref<!tpu.dma_semaphore, #tpu.memory_space<semaphore_mem>>) src(%arg11 : memref<400x64xf32, #tpu.memory_space<vmem>>) dst(%dma_wait3A_18 : memref<400x64xf32, #tpu.memory_space<hbm>>)
    %dma_wait3A_19 = arith.constant 0 : i32
    %dma_wait3A_20 = arith.constant 0 : i32
    %dma_wait3A_21 = tpu.memref_slice %arg5[%dma_wait3A_19, %dma_wait3A_20] : memref<204800x64xf32, #tpu.memory_space<hbm>> -> memref<400x64xf32, #tpu.memory_space<hbm>>
    %dma_wait3A_22 = arith.constant 0 : i32
    %dma_wait3A_23 = arith.constant 0 : i32
    %dma_wait3A_24 = tpu.memref_slice %arg5[%dma_wait3A_22, %dma_wait3A_23] : memref<204800x64xf32, #tpu.memory_space<hbm>> -> memref<400x64xf32, #tpu.memory_space<hbm>>
    tpu.wait_dma2 semaphore(%arg24 : memref<!tpu.dma_semaphore, #tpu.memory_space<semaphore_mem>>) src(%arg12 : memref<400x64xf32, #tpu.memory_space<vmem>>) dst(%dma_wait3A_24 : memref<400x64xf32, #tpu.memory_space<hbm>>)
    %dma_wait3A_25 = arith.constant 0 : i32
    %dma_wait3A_26 = arith.constant 0 : i32
    %dma_wait3A_27 = tpu.memref_slice %arg5[%dma_wait3A_25, %dma_wait3A_26] : memref<204800x64xf32, #tpu.memory_space<hbm>> -> memref<400x64xf32, #tpu.memory_space<hbm>>
    %dma_wait3A_28 = arith.constant 0 : i32
    %dma_wait3A_29 = arith.constant 0 : i32
    %dma_wait3A_30 = tpu.memref_slice %arg5[%dma_wait3A_28, %dma_wait3A_29] : memref<204800x64xf32, #tpu.memory_space<hbm>> -> memref<400x64xf32, #tpu.memory_space<hbm>>
    tpu.wait_dma2 semaphore(%arg25 : memref<!tpu.dma_semaphore, #tpu.memory_space<semaphore_mem>>) src(%arg13 : memref<400x64xf32, #tpu.memory_space<vmem>>) dst(%dma_wait3A_30 : memref<400x64xf32, #tpu.memory_space<hbm>>)
    return
  }
}

module attributes {stable_mosaic.version = 14 : i64} {
  func.func @_mask_body(%arg0: memref<1024x200xi32, #tpu.memory_space<vmem>>, %arg1: memref<1024x200xi32, #tpu.memory_space<vmem>>) attributes {dimension_semantics = [], scalar_prefetch = 0 : i64, scratch_operands = 0 : i64, tpu.core_type = #tpu.core_type<tc>} {
    %get3A = arith.constant 0 : index
    %get3A_0 = arith.constant 0 : index
    %get3A_1 = vector.load %arg0[%get3A, %get3A_0] : memref<1024x200xi32, #tpu.memory_space<vmem>>, vector<1024x200xi32>
    %ne3A = arith.constant 0 : i32
    %ne3A_2 = vector.broadcast %ne3A : i32 to vector<1024x200xi32>
    %ne3A_3 = arith.cmpi ne, %get3A_1, %ne3A_2 : vector<1024x200xi32>
    %swap3A = arith.constant 0 : index
    %swap3A_4 = arith.constant 0 : index
    %swap3A_5 = vector.load %arg1[%swap3A, %swap3A_4] : memref<1024x200xi32, #tpu.memory_space<vmem>>, vector<1024x200xi32>
    %swap3A_6 = arith.extui %ne3A_3 : vector<1024x200xi1> to vector<1024x200xi32>
    %swap3A_7 = arith.constant dense<0> : vector<1024x200xi32>
    %swap3A_8 = arith.cmpi ne, %swap3A_5, %swap3A_7 : vector<1024x200xi32>
    tpu.vector_store %arg1[%swap3A, %swap3A_4], %swap3A_6 {strides = array<i32>} : memref<1024x200xi32, #tpu.memory_space<vmem>>, vector<1024x200xi32>,
    return
  }
}

</mosaic_0001>

<sc_bundles>
// kernel: kernel.4.cloned.1.call-start
scs
__scs_entry_jumppad:
0x0: {  	(pc) =	sbr.rel $0x88, $3  }
0x1: {  	(tag) =	ssettag $0x0;
	lr =	simm.s32 $0x1  }
0x2: {  	[smem:$0x3F9E] =	sst lr;
	_ =	strace $0xD0000000  }
0x3: {  	_ = 	snop  }
0x4: {  	_ = 	snop  }
0x5: {  	_ = 	snop  }
0x6: {  	_ = 	snop  }
0x7: {  	_ = 	snop  }
__scs_overlays_trampoline_lowered:
0x8: {  	[smem:$0x3FAD] =	sst s0  }
0x9: {  	[smem:$0x3FAE] =	sst s1  }
0xa: {  	[smem:$0x3FAF] =	sst s2  }
0xb: {  	[smem:$0x3FB0] =	sst s3  }
0xc: {  	[smem:$0x3FB1] =	sst s4  }
0xd: {  	[smem:$0x3FB2] =	sst s5  }
0xe: {  	[smem:$0x3FB3] =	sst s6  }
0xf: {  	[smem:$0x3FB4] =	sst s7  }
0x10: {  	[smem:$0x3FB5] =	sst s8  }
0x11: {  	[smem:$0x3FB6] =	sst s9;
	s0 =	simm.s32 @!p0 $0x0  }
0x12: {  	s1 =	sld [smem:$0x3F9C];
	s0 =	simm.s32 @p0 $0x1  }
0x13: {  	[smem:$0x3FB7] =	sst s0;
	s0 =	simm.s32 @!p1 $0x0  }
0x14: {  	s2 =	sld [smem:$0x3F9B];
	s0 =	simm.s32 @p1 $0x1  }
0x15: {  	[smem:$0x3FB8] =	sst s0;
	s0 =	simm.s32 @!p2 $0x0  }
0x16: {  	s3 =	sld [smem:$0x3FDB];
	s0 =	simm.s32 @p2 $0x1  }
0x17: {  	s4 =	simm.s32 $0x1BF5;
	[smem:$0x3FBA] =	sst s0  }
0x18: {  	s0 =	sld [smem:$0x3F9D];
	_ =	swait.ge [sflag:s4], $0x0  }
0x19: {  	s7 =	sld [smem:$0x3F9E]  }
0x1a: {  	s8 =	sadd.s32 $0xFFFFE003, lr  }
0x1b: {  	s9 =	sadd.s32 $0xFFFFFEF7, lr;
	s5 =	simm.s32 $0xFFFFFFFF;
	p2 =	slt.u32 s8, $0xFFFFF086  }
0x1c: {  	p1 =	slt.u32 s9, $0xF7A;
	s5 =	simm.s32 @!p2 $0x0  }
0x1d: {  	s5 =	simm.s32 @p1 $0x1;
	p0 =	seq.s32 s7, s2  }
0x1e: {  	s7 =	smul.u32 @!p0 $0xF7A, s2;
	p2 =	seq.s32 @!p0 s5, $0x0  }
0x1f: {  	s9 =	smul.u32 $0xF7A, s1;
	s8 =	simm.s32 @!p0 $0x1BF5;
	p2 =	por !p2, p0  }
0x20: {  	[sflag:s8] =	ssyncset.s32 @!p0 $0xFFFFF086;
	s6 =	sadd.s32 @!p0 s3, s7;
	s7 =	simm.s32 @!p0 $0x108  }
0x21: {  	s3 =	sadd.s32 s3, s9;
	s6 =	sadd.s32 @!p0 $0x88, s6;
	s7 =	simm.s32 @p2 $0x1082  }
0x22: {  	[simem:s7], [sflag:s8] =	dma.local @!p0 [hbm:s6], $0xF7A  }
0x23: {  	s9 =	sor.u32 $0xD0000000, s2;
	s6 =	simm.s32 $0x108;
	_ =	swait.ge @!p0 [sflag:s8], $0x0  }
0x24: {  	s3 =	sadd.s32 $0x88, s3;
	s6 =	simm.s32 @!p1 $0x1082;
	[sflag:s4] =	ssyncset.s32 $0xFFFFF086  }
0x25: {  	[simem:s6], [sflag:s4] =	dma.local [hbm:s3], $0xF7A  }
0x26: {  	[smem:$0x3F9E] =	sst s1;
	(tag) =	ssettag s2;
	_ =	strace s9  }
0x27: {  	s1 =	sld [smem:$0x3FAE]  }
0x28: {  	s2 =	sld [smem:$0x3FAF]  }
0x29: {  	s4 =	sld [smem:$0x3FB1]  }
0x2a: {  	p0 =	seq.s32 s5, $0x0;
	s5 =	sld [smem:$0x3FB2]  }
0x2b: {  	s6 =	sld [smem:$0x3FB3]  }
0x2c: {  	s7 =	sld [smem:$0x3FB4]  }
0x2d: {  	s3 =	simm.s32 $0x108;
	s8 =	sld [smem:$0x3FB5]  }
0x2e: {  	s3 =	simm.s32 @!p0 $0x1082;
	s9 =	sld [smem:$0x3FB6]  }
0x2f: {  	lr =	sadd.s32 s0, s3;
	s0 =	sld [smem:$0x3FAD]  }
0x30: {  	s3 =	sld [smem:$0x3FB0]  }
0x31: {  	[smem:$0x3FB9] =	sst s10  }
0x32: {  	s10 =	sld [smem:$0x3FB7];
	_ =	sdelay $0x3  }
0x33: {  	p0 =	seq.s32 s10, $0x1;
	s10 =	sld [smem:$0x3FB9];
	_ =	sdelay $0x3  }
0x34: {  	[smem:$0x3FB9] =	sst s10  }
0x35: {  	s10 =	sld [smem:$0x3FB8];
	_ =	sdelay $0x3  }
0x36: {  	p1 =	seq.s32 s10, $0x1;
	s10 =	sld [smem:$0x3FB9];
	_ =	sdelay $0x3  }
0x37: {  	[smem:$0x3FB9] =	sst s10  }
0x38: {  	s10 =	sld [smem:$0x3FBA]  }
0x39: {  	_ = 	snop;
	(pc) =	sbr.ind lr, $3  }
0x3a: {  	_ = 	snop  }
0x3b: {  	_ = 	snop  }
0x3c: {  	p2 =	seq.s32 s10, $0x1;
	s10 =	sld [smem:$0x3FB9]  }
0x3d: {  	_ =	shalt  }
0x3e: {  	_ =	shalt  }
0x3f: {  	_ =	shalt  }
0x40: {  	_ =	shalt  }
0x41: {  	_ =	shalt  }
0x42: {  	_ =	shalt  }
0x43: {  	_ =	shalt  }
0x44: {  	_ =	shalt  }
0x45: {  	_ =	shalt  }
0x46: {  	_ =	shalt  }
0x47: {  	_ =	shalt  }
0x48: {  	_ =	shalt  }
0x49: {  	_ =	shalt  }
0x4a: {  	_ =	shalt  }
0x4b: {  	_ =	shalt  }
0x4c: {  	_ =	shalt  }
0x4d: {  	_ =	shalt  }
0x4e: {  	_ =	shalt  }
0x4f: {  	_ =	shalt  }
0x50: {  	_ =	shalt  }
0x51: {  	_ =	shalt  }
0x52: {  	_ =	shalt  }
0x53: {  	_ =	shalt  }
0x54: {  	_ =	shalt  }
0x55: {  	_ =	shalt  }
0x56: {  	_ =	shalt  }
0x57: {  	_ =	shalt  }
0x58: {  	_ =	shalt  }
0x59: {  	_ =	shalt  }
0x5a: {  	_ =	shalt  }
0x5b: {  	_ =	shalt  }
0x5c: {  	_ =	shalt  }
0x5d: {  	_ =	shalt  }
0x5e: {  	_ =	shalt  }
0x5f: {  	_ =	shalt  }
0x60: {  	_ =	shalt  }
0x61: {  	_ =	shalt  }
0x62: {  	_ =	shalt  }
0x63: {  	_ =	shalt  }
0x64: {  	_ =	shalt  }
0x65: {  	_ =	shalt  }
0x66: {  	_ =	shalt  }
0x67: {  	_ =	shalt  }
0x68: {  	_ =	shalt  }
0x69: {  	_ =	shalt  }
0x6a: {  	_ =	shalt  }
0x6b: {  	_ =	shalt  }
0x6c: {  	_ =	shalt  }
0x6d: {  	_ =	shalt  }
0x6e: {  	_ =	shalt  }
0x6f: {  	_ =	shalt  }
0x70: {  	_ =	shalt  }
0x71: {  	_ =	shalt  }
0x72: {  	_ =	shalt  }
0x73: {  	_ =	shalt  }
0x74: {  	_ =	shalt  }
0x75: {  	_ =	shalt  }
0x76: {  	_ =	shalt  }
0x77: {  	_ =	shalt  }
0x78: {  	_ =	shalt  }
0x79: {  	_ =	shalt  }
0x7a: {  	_ =	shalt  }
0x7b: {  	_ =	shalt  }
0x7c: {  	_ =	shalt  }
0x7d: {  	_ =	shalt  }
0x7e: {  	_ =	shalt  }
0x7f: {  	_ =	shalt  }
0x80: {  	_ =	shalt  }
0x81: {  	_ =	shalt  }
0x82: {  	_ =	shalt  }
0x83: {  	_ =	shalt  }
0x84: {  	_ =	shalt  }
0x85: {  	_ =	shalt  }
0x86: {  	_ =	shalt  }
0x87: {  	_ =	shalt  }
.Lfunc_end0:
.L_simem_size_0:
called_computation.1_lowered:
.L_overlay_start_0:
0x88: {  	s2 =	sld [smem:$0x3FD9]  }
0x89: {  	s3 =	sld [smem:$0x3FFE];
	_ =	sdelay $0x1  }
0x8a: {  	s1 =	srdreg.scid  }
0x8b: {  	s0 =	sand.u32 $0x1, s1  }
0x8c: {  	s14 =	sshll.u32 s0, $0xA;
	s2 =	sadd.s32 s3, s2  }
0x8d: {  	s2 =	sadd.s32 s2, s14  }
0x8e: {  	[smem:$0x3FC5] =	sst s2  }
0x8f: {  	_ = 	snop  }
0x90: {  	s2 =	sld [smem:$0x3FD0];
	_ =	sdelay $0x2  }
0x91: {  	s15 =	simm.s32 $0xA;
	s4 =	simm.s32 $0x10  }
0x92: {  	[smem:s4], [sflag:s15] =	dma.local [hbm:s2], $0x1  }
0x93: {  	_ =	swait.eq [sflag:s15], $0x1  }
0x94: {  	[sflag:s15] =	ssyncset.done $0x0  }
0x95: {  	s16 =	sld [smem:$0x10];
	[sflag:s15] =	ssyncadd.s32 $0xFFFFFFFF  }
0x96: {  	s17 =	sld [smem:$0x11];
	(tm) =	ssettm $0x1  }
0x97: {  	s18 =	sld [smem:$0x3FFB];
	_ =	sdelay $0x3  }
0x98: {  	_ =	strace s18  }
0x99: {  	s4 =	sld [smem:$0x3FFC];
	_ =	sdelay $0x3  }
0x9a: {  	_ =	strace s4  }
0x9b: {  	s4 =	sld [smem:$0x3FFD];
	_ =	sdelay $0x3  }
0x9c: {  	_ =	strace s4  }
0x9d: {  	_ =	strace $0x8FFFFFFF  }
0x9e: {  	s19 =	sld [smem:$0x3FDB];
	_ =	sdelay $0x1  }
0x9f: {  	s5 =	simm.s32 $_scs_section_size  }
0xa0: {  	s6 =	simm.s32 $_size__tile_overlayer_lowered;
	s7 =	simm.s32 $_tile_overlayer_lowered  }
0xa1: {  	s22 =	simm.s32 $0x1BFF;
	s21 =	sshll.u32 s7, $0x1;
	s4 =	sadd.s32 s5, s19  }
0xa2: {  	s8 =	simm.s32 $0x0;
	s20 =	sshll.u32 s6, $0x1;
	s6 =	sadd.s32 s21, s4  }
0xa3: {  	[timem:s8], [sflag:s22] =	dma.local [hbm:s6], s20  }
0xa4: {  	_ =	swait.ge [sflag:s22], s20  }
0xa5: {  	s5 =	ssub.s32 $0x0, s20;
	[sflag:s22] =	ssyncset.done $0x0  }
0xa6: {  	[sflag:s22] =	ssyncadd.s32 s5;
	_ =	sdelay $0x1  }
0xa7: {  	s23 =	simm.s32 $0x1B8B  }
0xa8: {  	_ =	swait.ge [sflag:s23], $0x1  }
0xa9: {  	[sflag:s23] =	ssyncset.done $0x0  }
0xaa: {  	s25 =	simm.s32 $0x1B8E;
	s24 =	sld [smem:$0x3FFE];
	[sflag:s23] =	ssyncadd.s32 $0xFFFFFFFF  }
0xab: {  	s26 =	simm.s32 $execute0_lowered;
	[smem:$0x3FD2] =	sst s25  }
0xac: {  	s6 =	sshll.u32 s26, $0x1;
	_ =	strace $0x80000046;
	[dreg:$0x1] =	wrdreg $0xFFFFFFFF  }
0xad: {  	s28 =	simm.s32 $_size_execute0_lowered;
	s4 =	sadd.s32 s4, s6;
	[dreg:$0x0] =	wrdreg $0x0  }
0xae: {  	s6 =	sshll.u32 s28, $0x1;
	[dreg:$0x2] =	wrdreg s4  }
0xaf: {  	[dreg:$0x3] =	wrdreg s6  }
0xb0: {  	[dreg:$0x4] =	wrdreg $0xC0  }
0xb1: {  	_ =	task [dreg:s8], $0x5FFFF  }
0xb2: {  	[dreg:$0x1] =	wrdreg $0xFFFFFFFF  }
0xb3: {  	[dreg:$0x0] =	wrdreg $0x60  }
0xb4: {  	[dreg:$0x2] =	wrdreg s24  }
0xb5: {  	[dreg:$0x3] =	wrdreg s17  }
0xb6: {  	[dreg:$0x4] =	wrdreg s16  }
0xb7: {  	[dreg:$0x5] =	wrdreg $0x9  }
0xb8: {  	_ =	task.clear_ibuf [dreg:s8], $0x6FFFF;
	_ =	strace $0x90000046  }
0xb9: {  	s29 =	simm.s32 $0x9;
	_ =	strace $0x80000048  }
0xba: {  	_ =	swait.ge [sflag:s29], $0x1  }
0xbb: {  	[sflag:s29] =	ssyncadd.s32 $0xFFFFFFFF  }
0xbc: {  	_ =	strace $0x90000048  }
0xbd: {  	_ =	sfence  }
0xbe: {  	s30 =	sld [smem:$0x0];
	_ =	sdelay $0x2  }
0xbf: {  	s31 =	sshll.u32 s1, $0xD;
	s1 =	sshrl.u32 s1, $0x2  }
0xc0: {  	s3 =	sand.u32 $0x4000, s31;
	s1 =	sadd.s32 s1, s30  }
0xc1: {  	s0 =	sor.u32 s3, s0;
	s1 =	sshll.u32 s1, $0x11  }
0xc2: {  	s0 =	sor.u32 s1, s0  }
0xc3: {  	s0 =	sadd.s32 $0x8F2B, s0  }
0xc4: {  	[sflag:s0] =	ssyncadd.remote.s32 $0x1  }
0xc5: {  	_ =	sfence.sel $0xFFFF  }
0xc6: {  	[dreg:$0x0] =	wrdreg $0xFFFFFFFF;
	(pc) =	sbr.abs _section_cstart, $3  }
0xc7: {  	[dreg:$0x1] =	wrdreg $0xFFFFFFFF  }
0xc8: {  	_ =	task.clear_ibuf [dreg:s8], $0x2FFFF;
	_ =	strace $0x9FFFFFFF  }
0xc9: {  	(tm) =	ssettm $0x7FFFFFFF  }
tec
execute0_lowered:
.L_overlay_start_1:
0x0: {  	(tag) =	ssettag $0x1  }
0x1: {  	s0 =	srdreg.scid;
	s11 =	stileid.u32  }
0x2: {  	s4 =	rddreg [dreg:$0x0];
	s0 =	sand.u32 $0x1, s0;
	s1 =	smul.u32 $0x3200, s11  }
0x3: {  	s2 =	rddreg [dreg:$0x1];
	s3 =	smul.u32 $0x1900, s0  }
0x4: {  	s5 =	rddreg [dreg:$0x2];
	s28 =	simm.s32 $0x2640;
	s13 =	smul.u32 $0xC800, s0  }
0x5: {  	s0 =	ssub.s32 $0x2, s0;
	s1 =	sadd.s32 s3, s1;
	s3 =	simm.s32 $0x0  }
0x6: {  	s30 =	simm.s32 $0x100;
	s29 =	sshrl.u32 s0, $0x1;
	[smem:$0x7FF] =	sst s3  }
0x7: {  	s0 =	ssub.s32 s0, s29;
	_ =	strace $0x80000047;
	[dreg:$0x8] =	wrdreg s28  }
0x8: {  	s31 =	simm.s32 $0x4640;
	s0 =	smax.u32 s0, $0x1;
	[dreg:$0x9] =	wrdreg s30  }
0x9: {  	s14 =	simm.s32 $0x290;
	s16 =	simm.s32 $0xAA40;
	[dreg:$0x1f] =	wrdreg s0  }
0xa: {  	s17 =	simm.s32 $0x310;
	s18 =	simm.s32 $0xCA40;
	[dreg:$0xa] =	wrdreg s31  }
0xb: {  	s19 =	simm.s32 $0x3A0;
	s20 =	simm.s32 $0xEE40;
	[dreg:$0xf] =	wrdreg s14  }
0xc: {  	s21 =	simm.s32 $0x420;
	s22 =	simm.s32 $0x10E40;
	[dreg:$0x10] =	wrdreg s16  }
0xd: {  	s23 =	simm.s32 $0x4A0;
	s24 =	simm.s32 $0x12E40;
	[dreg:$0x11] =	wrdreg s17  }
0xe: {  	s9 =	sadd.s32 $0x8C00, s4;
	s11 =	smul.u32 $0x19000, s11;
	[dreg:$0x12] =	wrdreg s18  }
0xf: {  	s4 =	sadd.s32 $0xF51400, s4;
	s29 =	simm.s32 $0x17240;
	[dreg:$0x13] =	wrdreg s19  }
0x10: {  	s6 =	sadd.s32 $0x4B0, s1;
	s25 =	sadd.s32 $0x320, s1;
	[dreg:$0x14] =	wrdreg s20  }
0x11: {  	s10 =	sadd.s32 $0x190, s1;
	s1 =	sshrl.u32 s1, $0x3;
	[dreg:$0x15] =	wrdreg s21  }
0x12: {  	s7 =	sshll.u32 s6, $0x3;
	s8 =	sshll.u32 s25, $0x3;
	[dreg:$0x16] =	wrdreg s22  }
0x13: {  	s12 =	sshll.u32 s10, $0x3;
	s6 =	sshrl.u32 s6, $0x3;
	[dreg:$0x17] =	wrdreg s23  }
0x14: {  	s15 =	sshrl.u32 s10, $0x3;
	s1 =	sadd.s32 s1, s9;
	[dreg:$0x18] =	wrdreg s24  }
0x15: {  	s10 =	simm.s32 $0x640;
	s14 =	simm.s32 $0xCE40;
	[dreg:$0x1c] =	wrdreg s29  }
0x16: {  	s16 =	simm.s32 $0x13240;
	s28 =	simm.s32 $0x5B0;
	[smem:$0x7FD] =	sst s1  }
0x17: {  	s17 =	simm.s32 $0x1;
	s30 =	simm.s32 $0x630;
	[dreg:$0x1b] =	wrdreg s28  }
0x18: {  	s18 =	simm.s32 $0x80;
	s31 =	simm.s32 $0x19240;
	[dreg:$0x1d] =	wrdreg s30  }
0x19: {  	s19 =	simm.s32 $0x10;
	s7 =	sadd.s32 s7, s5;
	[dreg:$0x1e] =	wrdreg s31  }
0x1a: {  	s20 =	simm.s32 $0x2;
	s8 =	sadd.s32 s8, s5;
	[dreg:$0x4] =	wrdreg s7  }
0x1b: {  	s21 =	simm.s32 $0x3;
	s26 =	sadd.s32 s12, s5;
	[dreg:$0x5] =	wrdreg s8  }
0x1c: {  	s5 =	sadd.s32 s11, s5;
	s11 =	simm.s32 $0x210;
	[dreg:$0x6] =	wrdreg s26  }
0x1d: {  	s12 =	sshrl.u32 s25, $0x3;
	s25 =	simm.s32 $0x530;
	[dreg:$0xd] =	wrdreg s11  }
0x1e: {  	s22 =	simm.s32 $0x4;
	s5 =	sadd.s32 s13, s5;
	[dreg:$0x19] =	wrdreg s25  }
0x1f: {  	s23 =	simm.s32 $0x5;
	s8 =	simm.s32 $0x6640;
	[dreg:$0x7] =	wrdreg s5  }
0x20: {  	s24 =	simm.s32 $0x6;
	s13 =	simm.s32 $0x8A40;
	[dreg:$0xc] =	wrdreg s8  }
0x21: {  	s11 =	simm.s32 $0x190;
	s26 =	simm.s32 $0x15240;
	[dreg:$0xe] =	wrdreg s13  }
0x22: {  	s25 =	simm.s32 $0x7;
	s5 =	simm.s32 $0x180;
	[dreg:$0x1a] =	wrdreg s26  }
0x23: {  	s13 =	simm.s32 $0x320;
	[dreg:$0xb] =	wrdreg s5;
	s5 =	sadd.s32 s6, s9  }
0x24: {  	s26 =	simm.s32 $0x8;
	[smem:$0x7FA] =	sst s5;
	s5 =	sadd.s32 s12, s9  }
0x25: {  	s12 =	simm.s32 $0x6A40;
	[smem:$0x7FB] =	sst s5;
	s5 =	sadd.s32 s15, s9  }
0x26: {  	s15 =	simm.s32 $0x4B0;
	[smem:$0x7FC] =	sst s5;
	s5 =	simm.s32 $0x0  }
.LBB2_1:
0x27: {  	p0 =	por $0x1, $0x1  }
0x28: {  	[smem:$0x7F9] =	sst s5;
	s0 =	simm.s32 @!p0 $0x9  }
0x29: {  	_ =	swait.ge @!p0 [sflag:s0], $0x6400  }
0x2a: {  	s9 =	sld [smem:$0x7FD]  }
0x2b: {  	[sflag:s0] =	ssyncset.done @!p0 $0x0  }
0x2c: {  	[sflag:s0] =	ssyncadd.s32 @!p0 $0xFFFF9C00  }
0x2d: {  	[tilespmem:s3], [sflag:$0x1] =	stream.linear.gather [hbm4b:s9+s3], $0x190, $0x38;
	[tilespmem:$0x19640] =	vst v63  }
0x2e: {  	s0 =	simm.s32 @!p0 $0xA  }
0x2f: {  	[tilespmem:s10], [sflag:$0x1] =	stream.linear.gather [hbm4b:s2+s3], $0x6400, $0x38;
	[tilespmem:$0x19640] =	vst v63  }
0x30: {  	_ =	swait.ge @!p0 [sflag:s0], $0x6400  }
0x31: {  	s8 =	sld [smem:$0x7FC]  }
0x32: {  	[sflag:s0] =	ssyncset.done @!p0 $0x0  }
0x33: {  	[sflag:s0] =	ssyncadd.s32 @!p0 $0xFFFF9C00  }
0x34: {  	[tilespmem:s11], [sflag:$0x2] =	stream.linear.gather [hbm4b:s8+s3], $0x190, $0x38;
	[tilespmem:$0x19640] =	vst v63  }
0x35: {  	s0 =	simm.s32 @!p0 $0xB  }
0x36: {  	[tilespmem:s12], [sflag:$0x2] =	stream.linear.gather [hbm4b:s2+s3], $0x6400, $0x38;
	[tilespmem:$0x19640] =	vst v63  }
0x37: {  	_ =	swait.ge @!p0 [sflag:s0], $0x6400  }
0x38: {  	s7 =	sld [smem:$0x7FB]  }
0x39: {  	[sflag:s0] =	ssyncset.done @!p0 $0x0  }
0x3a: {  	[sflag:s0] =	ssyncadd.s32 @!p0 $0xFFFF9C00  }
0x3b: {  	[tilespmem:s13], [sflag:$0x3] =	stream.linear.gather [hbm4b:s7+s3], $0x190, $0x38;
	[tilespmem:$0x19640] =	vst v63  }
0x3c: {  	s0 =	simm.s32 @!p0 $0xC  }
0x3d: {  	[tilespmem:s14], [sflag:$0x3] =	stream.linear.gather [hbm4b:s2+s3], $0x6400, $0x38;
	[tilespmem:$0x19640] =	vst v63  }
0x3e: {  	_ =	swait.ge @!p0 [sflag:s0], $0x6400  }
0x3f: {  	s1 =	sld [smem:$0x7FA]  }
0x40: {  	[sflag:s0] =	ssyncset.done @!p0 $0x0  }
0x41: {  	[sflag:s0] =	ssyncadd.s32 @!p0 $0xFFFF9C00  }
0x42: {  	[tilespmem:s15], [sflag:$0x4] =	stream.linear.gather [hbm4b:s1+s3], $0x190, $0x38;
	[tilespmem:$0x19640] =	vst v63  }
0x43: {  	_ = 	snop  }
0x44: {  	[tilespmem:s16], [sflag:$0x4] =	stream.linear.gather [hbm4b:s2+s3], $0x6400, $0x38;
	[tilespmem:$0x19640] =	vst v63  }
0x45: {  	_ =	swait.ge [sflag:s17], $0x190  }
0x46: {  	[sflag:s17] =	ssyncset.done $0x0  }
0x47: {  	[sflag:s17] =	ssyncadd.s32 $0xFFFFFE70  }
0x48: {  	_ =	swait.ge [sflag:s17], $0x6400  }
0x49: {  	[sflag:s17] =	ssyncset.done $0x0;
	s31 =	rddreg [dreg:$0x8]  }
0x4a: {  	s5 =	rddreg [dreg:$0xa];
	[sflag:s17] =	ssyncadd.s32 $0xFFFF9C00  }
0x4b: {  	[tilespmem:s10], [sflag:$0x5] =	stream.indirect.gather.add.f32 [hbm:s4], $0x40, s3, s18, $0xb8;
	[tilespmem:$0x19640] =	vst v63  }
0x4c: {  	s6 =	rddreg [dreg:$0x9]  }
0x4d: {  	[tilespmem:s31], [sflag:$0x5] =	stream.indirect.gather.add.f32 [hbm:s4], $0x40, s18, s18, $0xb8;
	[tilespmem:$0x19640] =	vst v63  }
0x4e: {  	s28 =	rddreg [dreg:$0xb]  }
0x4f: {  	[tilespmem:s5], [sflag:$0x5] =	stream.indirect.gather.add.f32 [hbm:s4], $0x40, s6, s18, $0xb8;
	[tilespmem:$0x19640] =	vst v63  }
0x50: {  	s31 =	rddreg [dreg:$0xc]  }
0x51: {  	[tilespmem:s31], [sflag:$0x5] =	stream.indirect.gather.add.f32 [hbm:s4], $0x40, s28, s19, $0xb8;
	[tilespmem:$0x19640] =	vst v63  }
0x52: {  	_ =	swait.ge [sflag:s20], $0x190  }
0x53: {  	[sflag:s20] =	ssyncset.done $0x0  }
0x54: {  	[sflag:s20] =	ssyncadd.s32 $0xFFFFFE70  }
0x55: {  	_ =	swait.ge [sflag:s20], $0x6400  }
0x56: {  	s0 =	rddreg [dreg:$0xf]  }
0x57: {  	[sflag:s20] =	ssyncset.done $0x0;
	s6 =	rddreg [dreg:$0xd]  }
0x58: {  	s31 =	rddreg [dreg:$0xe];
	[sflag:s20] =	ssyncadd.s32 $0xFFFF9C00  }
0x59: {  	[tilespmem:s12], [sflag:$0x6] =	stream.indirect.gather.add.f32 [hbm:s4], $0x40, s11, s18, $0xb8;
	[tilespmem:$0x19640] =	vst v63  }
0x5a: {  	s28 =	rddreg [dreg:$0x12]  }
0x5b: {  	[tilespmem:s31], [sflag:$0x6] =	stream.indirect.gather.add.f32 [hbm:s4], $0x40, s6, s18, $0xb8;
	[tilespmem:$0x19640] =	vst v63  }
0x5c: {  	s29 =	rddreg [dreg:$0x10]  }
0x5d: {  	[tilespmem:s29], [sflag:$0x6] =	stream.indirect.gather.add.f32 [hbm:s4], $0x40, s0, s18, $0xb8;
	[tilespmem:$0x19640] =	vst v63  }
0x5e: {  	s31 =	rddreg [dreg:$0x11]  }
0x5f: {  	[tilespmem:s28], [sflag:$0x6] =	stream.indirect.gather.add.f32 [hbm:s4], $0x40, s31, s19, $0xb8;
	[tilespmem:$0x19640] =	vst v63  }
0x60: {  	_ =	swait.ge [sflag:s21], $0x190  }
0x61: {  	[sflag:s21] =	ssyncset.done $0x0  }
0x62: {  	[sflag:s21] =	ssyncadd.s32 $0xFFFFFE70  }
0x63: {  	_ =	swait.ge [sflag:s21], $0x6400  }
0x64: {  	s6 =	rddreg [dreg:$0x14]  }
0x65: {  	[sflag:s21] =	ssyncset.done $0x0;
	s5 =	rddreg [dreg:$0x15]  }
0x66: {  	s31 =	rddreg [dreg:$0x13];
	[sflag:s21] =	ssyncadd.s32 $0xFFFF9C00  }
0x67: {  	[tilespmem:s14], [sflag:$0x7] =	stream.indirect.gather.add.f32 [hbm:s4], $0x40, s13, s18, $0xb8;
	[tilespmem:$0x19640] =	vst v63  }
0x68: {  	s28 =	rddreg [dreg:$0x18]  }
0x69: {  	[tilespmem:s6], [sflag:$0x7] =	stream.indirect.gather.add.f32 [hbm:s4], $0x40, s31, s18, $0xb8;
	[tilespmem:$0x19640] =	vst v63  }
0x6a: {  	s29 =	rddreg [dreg:$0x16]  }
0x6b: {  	[tilespmem:s29], [sflag:$0x7] =	stream.indirect.gather.add.f32 [hbm:s4], $0x40, s5, s18, $0xb8;
	[tilespmem:$0x19640] =	vst v63  }
0x6c: {  	s31 =	rddreg [dreg:$0x17]  }
0x6d: {  	[tilespmem:s28], [sflag:$0x7] =	stream.indirect.gather.add.f32 [hbm:s4], $0x40, s31, s19, $0xb8;
	[tilespmem:$0x19640] =	vst v63  }
0x6e: {  	_ =	swait.ge [sflag:s22], $0x190  }
0x6f: {  	[sflag:s22] =	ssyncset.done $0x0  }
0x70: {  	[sflag:s22] =	ssyncadd.s32 $0xFFFFFE70  }
0x71: {  	_ =	swait.ge [sflag:s22], $0x6400  }
0x72: {  	s6 =	rddreg [dreg:$0x19]  }
0x73: {  	[sflag:s22] =	ssyncset.done $0x0;
	s5 =	rddreg [dreg:$0x1b]  }
0x74: {  	s31 =	rddreg [dreg:$0x1a];
	[sflag:s22] =	ssyncadd.s32 $0xFFFF9C00  }
0x75: {  	[tilespmem:s16], [sflag:$0x8] =	stream.indirect.gather.add.f32 [hbm:s4], $0x40, s15, s18, $0xb8;
	[tilespmem:$0x19640] =	vst v63  }
0x76: {  	s28 =	rddreg [dreg:$0x1c]  }
0x77: {  	[tilespmem:s31], [sflag:$0x8] =	stream.indirect.gather.add.f32 [hbm:s4], $0x40, s6, s18, $0xb8;
	[tilespmem:$0x19640] =	vst v63  }
0x78: {  	s29 =	rddreg [dreg:$0x1d]  }
0x79: {  	[tilespmem:s28], [sflag:$0x8] =	stream.indirect.gather.add.f32 [hbm:s4], $0x40, s5, s18, $0xb8;
	[tilespmem:$0x19640] =	vst v63  }
0x7a: {  	s30 =	sadd.s32 $0xC8, s8;
	s0 =	simm.s32 $0x0;
	s31 =	rddreg [dreg:$0x1e]  }
0x7b: {  	[tilespmem:s31], [sflag:$0x8] =	stream.indirect.gather.add.f32 [hbm:s4], $0x40, s29, s19, $0xb8;
	[tilespmem:$0x19640] =	vst v63  }
0x7c: {  	s6 =	smov.u32 s1;
	s5 =	simm.s32 $0x3200;
	_ =	swait.ge [sflag:s23], $0x2000  }
0x7d: {  	s28 =	sadd.s32 $0xC8, s9;
	s29 =	sadd.s32 $0xC8, s7;
	[sflag:s23] =	ssyncset.done $0x0  }
.LBB2_2:
0x7e: {  	[sflag:s23] =	ssyncadd.s32 $0xFFFFE000  }
0x7f: {  	_ =	swait.ge [sflag:s23], $0x2000  }
0x80: {  	[sflag:s23] =	ssyncset.done $0x0  }
0x81: {  	[sflag:s23] =	ssyncadd.s32 $0xFFFFE000  }
0x82: {  	_ =	swait.ge [sflag:s23], $0x2000  }
0x83: {  	[sflag:s23] =	ssyncset.done $0x0  }
0x84: {  	[sflag:s23] =	ssyncadd.s32 $0xFFFFE000  }
0x85: {  	_ =	swait.ge [sflag:s23], $0x400  }
0x86: {  	s7 =	rddreg [dreg:$0x7];
	[sflag:s23] =	ssyncset.done $0x0  }
0x87: {  	[sflag:s23] =	ssyncadd.s32 $0xFFFFFC00;
	s7 =	sadd.s32 s0, s7  }
0x88: {  	[hbm4b:s7+s3] =	stream.linear.scatter [tilespmem:s10], [sflag:$0x9], $0x6400, $0x38;
	[tilespmem:$0x19640] =	vst v63  }
0x89: {  	_ =	swait.ge [sflag:s24], $0x2000  }
0x8a: {  	[sflag:s24] =	ssyncset.done $0x0  }
0x8b: {  	[sflag:s24] =	ssyncadd.s32 $0xFFFFE000  }
0x8c: {  	_ =	swait.ge [sflag:s24], $0x2000  }
0x8d: {  	[sflag:s24] =	ssyncset.done $0x0  }
0x8e: {  	[sflag:s24] =	ssyncadd.s32 $0xFFFFE000  }
0x8f: {  	_ =	swait.ge [sflag:s24], $0x2000  }
0x90: {  	[sflag:s24] =	ssyncset.done $0x0  }
0x91: {  	[sflag:s24] =	ssyncadd.s32 $0xFFFFE000  }
0x92: {  	_ =	swait.ge [sflag:s24], $0x400  }
0x93: {  	s8 =	rddreg [dreg:$0x6];
	[sflag:s24] =	ssyncset.done $0x0  }
0x94: {  	[sflag:s24] =	ssyncadd.s32 $0xFFFFFC00;
	s7 =	sadd.s32 s0, s8  }
0x95: {  	[hbm4b:s7+s3] =	stream.linear.scatter [tilespmem:s12], [sflag:$0xA], $0x6400, $0x38;
	[tilespmem:$0x19640] =	vst v63  }
0x96: {  	_ =	swait.ge [sflag:s25], $0x2000  }
0x97: {  	[sflag:s25] =	ssyncset.done $0x0  }
0x98: {  	[sflag:s25] =	ssyncadd.s32 $0xFFFFE000  }
0x99: {  	_ =	swait.ge [sflag:s25], $0x2000  }
0x9a: {  	[sflag:s25] =	ssyncset.done $0x0  }
0x9b: {  	[sflag:s25] =	ssyncadd.s32 $0xFFFFE000  }
0x9c: {  	_ =	swait.ge [sflag:s25], $0x2000  }
0x9d: {  	[sflag:s25] =	ssyncset.done $0x0  }
0x9e: {  	[sflag:s25] =	ssyncadd.s32 $0xFFFFE000  }
0x9f: {  	_ =	swait.ge [sflag:s25], $0x400  }
0xa0: {  	s9 =	rddreg [dreg:$0x5];
	[sflag:s25] =	ssyncset.done $0x0  }
0xa1: {  	[sflag:s25] =	ssyncadd.s32 $0xFFFFFC00;
	s7 =	sadd.s32 s0, s9  }
0xa2: {  	[hbm4b:s7+s3] =	stream.linear.scatter [tilespmem:s14], [sflag:$0xB], $0x6400, $0x38;
	[tilespmem:$0x19640] =	vst v63  }
0xa3: {  	_ =	swait.ge [sflag:s26], $0x2000  }
0xa4: {  	[sflag:s26] =	ssyncset.done $0x0  }
0xa5: {  	[sflag:s26] =	ssyncadd.s32 $0xFFFFE000  }
0xa6: {  	_ =	swait.ge [sflag:s26], $0x2000  }
0xa7: {  	[sflag:s26] =	ssyncset.done $0x0  }
0xa8: {  	[sflag:s26] =	ssyncadd.s32 $0xFFFFE000  }
0xa9: {  	_ =	swait.ge [sflag:s26], $0x2000  }
0xaa: {  	[sflag:s26] =	ssyncset.done $0x0  }
0xab: {  	[sflag:s26] =	ssyncadd.s32 $0xFFFFE000  }
0xac: {  	s31 =	smov.u32 s5;
	_ =	swait.ge [sflag:s26], $0x400  }
0xad: {  	p1 =	seq.s32 s31, $0x0;
	[sflag:s26] =	ssyncset.done $0x0;
	s8 =	rddreg [dreg:$0x4]  }
0xae: {  	s7 =	simm.s32 @!p1 $0x9;
	[sflag:s26] =	ssyncadd.s32 $0xFFFFFC00;
	s8 =	sadd.s32 s0, s8  }
0xaf: {  	[hbm4b:s8+s3] =	stream.linear.scatter [tilespmem:s16], [sflag:$0xC], $0x6400, $0x38;
	[tilespmem:$0x19640] =	vst v63  }
0xb0: {  	_ =	swait.ge @!p1 [sflag:s7], $0x6400  }
0xb1: {  	[sflag:s7] =	ssyncset.done @!p1 $0x0  }
0xb2: {  	[sflag:s7] =	ssyncadd.s32 @!p1 $0xFFFF9C00  }
0xb3: {  	[tilespmem:s3], [sflag:$0x1] =	stream.linear.gather [hbm4b:s28+s3], $0x190, $0x38;
	[tilespmem:$0x19640] =	vst v63  }
0xb4: {  	s7 =	simm.s32 @!p1 $0xA  }
0xb5: {  	[tilespmem:s10], [sflag:$0x1] =	stream.linear.gather [hbm4b:s2+s3], $0x6400, $0x38;
	[tilespmem:$0x19640] =	vst v63  }
0xb6: {  	_ =	swait.ge @!p1 [sflag:s7], $0x6400  }
0xb7: {  	[sflag:s7] =	ssyncset.done @!p1 $0x0  }
0xb8: {  	[sflag:s7] =	ssyncadd.s32 @!p1 $0xFFFF9C00  }
0xb9: {  	[tilespmem:s11], [sflag:$0x2] =	stream.linear.gather [hbm4b:s30+s3], $0x190, $0x38;
	[tilespmem:$0x19640] =	vst v63  }
0xba: {  	s7 =	simm.s32 @!p1 $0xB  }
0xbb: {  	[tilespmem:s12], [sflag:$0x2] =	stream.linear.gather [hbm4b:s2+s3], $0x6400, $0x38;
	[tilespmem:$0x19640] =	vst v63  }
0xbc: {  	_ =	swait.ge @!p1 [sflag:s7], $0x6400  }
0xbd: {  	[sflag:s7] =	ssyncset.done @!p1 $0x0  }
0xbe: {  	[sflag:s7] =	ssyncadd.s32 @!p1 $0xFFFF9C00  }
0xbf: {  	[tilespmem:s13], [sflag:$0x3] =	stream.linear.gather [hbm4b:s29+s3], $0x190, $0x38;
	[tilespmem:$0x19640] =	vst v63  }
0xc0: {  	s7 =	simm.s32 @!p1 $0xC  }
0xc1: {  	[tilespmem:s14], [sflag:$0x3] =	stream.linear.gather [hbm4b:s2+s3], $0x6400, $0x38;
	[tilespmem:$0x19640] =	vst v63  }
0xc2: {  	_ =	swait.ge @!p1 [sflag:s7], $0x6400  }
0xc3: {  	[sflag:s7] =	ssyncset.done @!p1 $0x0  }
0xc4: {  	s6 =	sadd.s32 $0xC8, s6;
	[sflag:s7] =	ssyncadd.s32 @!p1 $0xFFFF9C00  }
0xc5: {  	[tilespmem:s15], [sflag:$0x4] =	stream.linear.gather [hbm4b:s6+s3], $0x190, $0x38;
	[tilespmem:$0x19640] =	vst v63  }
0xc6: {  	_ = 	snop  }
0xc7: {  	[tilespmem:s16], [sflag:$0x4] =	stream.linear.gather [hbm4b:s2+s3], $0x6400, $0x38;
	[tilespmem:$0x19640] =	vst v63  }
0xc8: {  	_ =	swait.ge [sflag:s17], $0x190  }
0xc9: {  	[sflag:s17] =	ssyncset.done $0x0  }
0xca: {  	[sflag:s17] =	ssyncadd.s32 $0xFFFFFE70  }
0xcb: {  	_ =	swait.ge [sflag:s17], $0x6400  }
0xcc: {  	[sflag:s17] =	ssyncset.done $0x0;
	s1 =	rddreg [dreg:$0x8]  }
0xcd: {  	s8 =	rddreg [dreg:$0xa];
	[sflag:s17] =	ssyncadd.s32 $0xFFFF9C00  }
0xce: {  	[tilespmem:s10], [sflag:$0x5] =	stream.indirect.gather.add.f32 [hbm:s4], $0x40, s3, s18, $0xb8;
	[tilespmem:$0x19640] =	vst v63  }
0xcf: {  	s0 =	smov.u32 s31;
	s31 =	rddreg [dreg:$0x9]  }
0xd0: {  	[tilespmem:s1], [sflag:$0x5] =	stream.indirect.gather.add.f32 [hbm:s4], $0x40, s18, s18, $0xb8;
	[tilespmem:$0x19640] =	vst v63  }
0xd1: {  	s9 =	rddreg [dreg:$0xb]  }
0xd2: {  	[tilespmem:s8], [sflag:$0x5] =	stream.indirect.gather.add.f32 [hbm:s4], $0x40, s31, s18, $0xb8;
	[tilespmem:$0x19640] =	vst v63  }
0xd3: {  	s1 =	rddreg [dreg:$0xc]  }
0xd4: {  	[tilespmem:s1], [sflag:$0x5] =	stream.indirect.gather.add.f32 [hbm:s4], $0x40, s9, s19, $0xb8;
	[tilespmem:$0x19640] =	vst v63  }
0xd5: {  	_ =	swait.ge [sflag:s20], $0x190  }
0xd6: {  	[sflag:s20] =	ssyncset.done $0x0  }
0xd7: {  	[sflag:s20] =	ssyncadd.s32 $0xFFFFFE70  }
0xd8: {  	_ =	swait.ge [sflag:s20], $0x6400  }
0xd9: {  	s7 =	rddreg [dreg:$0xf]  }
0xda: {  	[sflag:s20] =	ssyncset.done $0x0;
	s8 =	rddreg [dreg:$0xd]  }
0xdb: {  	s9 =	rddreg [dreg:$0xe];
	[sflag:s20] =	ssyncadd.s32 $0xFFFF9C00  }
0xdc: {  	[tilespmem:s12], [sflag:$0x6] =	stream.indirect.gather.add.f32 [hbm:s4], $0x40, s11, s18, $0xb8;
	[tilespmem:$0x19640] =	vst v63  }
0xdd: {  	s31 =	rddreg [dreg:$0x12]  }
0xde: {  	[tilespmem:s9], [sflag:$0x6] =	stream.indirect.gather.add.f32 [hbm:s4], $0x40, s8, s18, $0xb8;
	[tilespmem:$0x19640] =	vst v63  }
0xdf: {  	s1 =	rddreg [dreg:$0x10]  }
0xe0: {  	[tilespmem:s1], [sflag:$0x6] =	stream.indirect.gather.add.f32 [hbm:s4], $0x40, s7, s18, $0xb8;
	[tilespmem:$0x19640] =	vst v63  }
0xe1: {  	s9 =	rddreg [dreg:$0x11]  }
0xe2: {  	[tilespmem:s31], [sflag:$0x6] =	stream.indirect.gather.add.f32 [hbm:s4], $0x40, s9, s19, $0xb8;
	[tilespmem:$0x19640] =	vst v63  }
0xe3: {  	_ =	swait.ge [sflag:s21], $0x190  }
0xe4: {  	[sflag:s21] =	ssyncset.done $0x0  }
0xe5: {  	[sflag:s21] =	ssyncadd.s32 $0xFFFFFE70  }
0xe6: {  	_ =	swait.ge [sflag:s21], $0x6400  }
0xe7: {  	s1 =	rddreg [dreg:$0x14]  }
0xe8: {  	[sflag:s21] =	ssyncset.done $0x0;
	s7 =	rddreg [dreg:$0x15]  }
0xe9: {  	s8 =	rddreg [dreg:$0x13];
	[sflag:s21] =	ssyncadd.s32 $0xFFFF9C00  }
0xea: {  	[tilespmem:s14], [sflag:$0x7] =	stream.indirect.gather.add.f32 [hbm:s4], $0x40, s13, s18, $0xb8;
	[tilespmem:$0x19640] =	vst v63  }
0xeb: {  	s9 =	rddreg [dreg:$0x18]  }
0xec: {  	[tilespmem:s1], [sflag:$0x7] =	stream.indirect.gather.add.f32 [hbm:s4], $0x40, s8, s18, $0xb8;
	[tilespmem:$0x19640] =	vst v63  }
0xed: {  	s31 =	rddreg [dreg:$0x16]  }
0xee: {  	[tilespmem:s31], [sflag:$0x7] =	stream.indirect.gather.add.f32 [hbm:s4], $0x40, s7, s18, $0xb8;
	[tilespmem:$0x19640] =	vst v63  }
0xef: {  	s8 =	rddreg [dreg:$0x17]  }
0xf0: {  	[tilespmem:s9], [sflag:$0x7] =	stream.indirect.gather.add.f32 [hbm:s4], $0x40, s8, s19, $0xb8;
	[tilespmem:$0x19640] =	vst v63  }
0xf1: {  	_ =	swait.ge [sflag:s22], $0x190  }
0xf2: {  	[sflag:s22] =	ssyncset.done $0x0  }
0xf3: {  	[sflag:s22] =	ssyncadd.s32 $0xFFFFFE70  }
0xf4: {  	_ =	swait.ge [sflag:s22], $0x6400  }
0xf5: {  	[sflag:s22] =	ssyncset.done $0x0;
	s1 =	rddreg [dreg:$0x19]  }
0xf6: {  	s7 =	rddreg [dreg:$0x1b];
	[sflag:s22] =	ssyncadd.s32 $0xFFFF9C00  }
0xf7: {  	[tilespmem:s16], [sflag:$0x8] =	stream.indirect.gather.add.f32 [hbm:s4], $0x40, s15, s18, $0xb8;
	[tilespmem:$0x19640] =	vst v63  }
0xf8: {  	s5 =	sadd.s32 $0x3200, s5;
	s8 =	rddreg [dreg:$0x1a]  }
0xf9: {  	[tilespmem:s8], [sflag:$0x8] =	stream.indirect.gather.add.f32 [hbm:s4], $0x40, s1, s18, $0xb8;
	[tilespmem:$0x19640] =	vst v63  }
0xfa: {  	p0 =	sne.s32 s5, $0xC800;
	s9 =	rddreg [dreg:$0x1c]  }
0xfb: {  	[tilespmem:s9], [sflag:$0x8] =	stream.indirect.gather.add.f32 [hbm:s4], $0x40, s7, s18, $0xb8;
	[tilespmem:$0x19640] =	vst v63  }
.Ltmp0:
0xfc: {  	s31 =	rddreg [dreg:$0x1d];
	(pc) =	sbr.rel @p0 .LBB2_2-.Ltmp0, $4  }
0xfd: {  	s8 =	rddreg [dreg:$0x1e]  }
0xfe: {  	[tilespmem:s8], [sflag:$0x8] =	stream.indirect.gather.add.f32 [hbm:s4], $0x40, s31, s19, $0xb8;
	[tilespmem:$0x19640] =	vst v63  }
0xff: {  	s28 =	sadd.s32 $0xC8, s28;
	_ =	swait.ge [sflag:s23], $0x2000  }
0x100: {  	s30 =	sadd.s32 $0xC8, s30;
	s29 =	sadd.s32 $0xC8, s29;
	[sflag:s23] =	ssyncset.done $0x0  }
0x101: {  	[sflag:s23] =	ssyncadd.s32 $0xFFFFE000  }
0x102: {  	_ =	swait.ge [sflag:s23], $0x2000  }
0x103: {  	[sflag:s23] =	ssyncset.done $0x0  }
0x104: {  	[sflag:s23] =	ssyncadd.s32 $0xFFFFE000  }
0x105: {  	_ =	swait.ge [sflag:s23], $0x2000  }
0x106: {  	[sflag:s23] =	ssyncset.done $0x0  }
0x107: {  	[sflag:s23] =	ssyncadd.s32 $0xFFFFE000  }
0x108: {  	_ =	swait.ge [sflag:s23], $0x400  }
0x109: {  	s1 =	rddreg [dreg:$0x7];
	[sflag:s23] =	ssyncset.done $0x0  }
0x10a: {  	[sflag:s23] =	ssyncadd.s32 $0xFFFFFC00;
	s1 =	sadd.s32 s0, s1  }
0x10b: {  	[hbm4b:s1+s3] =	stream.linear.scatter [tilespmem:s10], [sflag:$0x9], $0x6400, $0x38;
	[tilespmem:$0x19640] =	vst v63  }
0x10c: {  	_ =	swait.ge [sflag:s24], $0x2000  }
0x10d: {  	[sflag:s24] =	ssyncset.done $0x0  }
0x10e: {  	[sflag:s24] =	ssyncadd.s32 $0xFFFFE000  }
0x10f: {  	_ =	swait.ge [sflag:s24], $0x2000  }
0x110: {  	[sflag:s24] =	ssyncset.done $0x0  }
0x111: {  	[sflag:s24] =	ssyncadd.s32 $0xFFFFE000  }
0x112: {  	_ =	swait.ge [sflag:s24], $0x2000  }
0x113: {  	[sflag:s24] =	ssyncset.done $0x0  }
0x114: {  	[sflag:s24] =	ssyncadd.s32 $0xFFFFE000  }
0x115: {  	_ =	swait.ge [sflag:s24], $0x400  }
0x116: {  	s5 =	rddreg [dreg:$0x6];
	[sflag:s24] =	ssyncset.done $0x0  }
0x117: {  	[sflag:s24] =	ssyncadd.s32 $0xFFFFFC00;
	s1 =	sadd.s32 s0, s5  }
0x118: {  	[hbm4b:s1+s3] =	stream.linear.scatter [tilespmem:s12], [sflag:$0xA], $0x6400, $0x38;
	[tilespmem:$0x19640] =	vst v63  }
0x119: {  	_ =	swait.ge [sflag:s25], $0x2000  }
0x11a: {  	[sflag:s25] =	ssyncset.done $0x0  }
0x11b: {  	[sflag:s25] =	ssyncadd.s32 $0xFFFFE000  }
0x11c: {  	_ =	swait.ge [sflag:s25], $0x2000  }
0x11d: {  	[sflag:s25] =	ssyncset.done $0x0  }
0x11e: {  	[sflag:s25] =	ssyncadd.s32 $0xFFFFE000  }
0x11f: {  	_ =	swait.ge [sflag:s25], $0x2000  }
0x120: {  	[sflag:s25] =	ssyncset.done $0x0  }
0x121: {  	[sflag:s25] =	ssyncadd.s32 $0xFFFFE000  }
0x122: {  	_ =	swait.ge [sflag:s25], $0x400  }
0x123: {  	s6 =	rddreg [dreg:$0x5];
	[sflag:s25] =	ssyncset.done $0x0  }
0x124: {  	[sflag:s25] =	ssyncadd.s32 $0xFFFFFC00;
	s1 =	sadd.s32 s0, s6  }
0x125: {  	[hbm4b:s1+s3] =	stream.linear.scatter [tilespmem:s14], [sflag:$0xB], $0x6400, $0x38;
	[tilespmem:$0x19640] =	vst v63  }
0x126: {  	_ =	swait.ge [sflag:s26], $0x2000  }
0x127: {  	[sflag:s26] =	ssyncset.done $0x0  }
0x128: {  	[sflag:s26] =	ssyncadd.s32 $0xFFFFE000  }
0x129: {  	_ =	swait.ge [sflag:s26], $0x2000  }
0x12a: {  	[sflag:s26] =	ssyncset.done $0x0  }
0x12b: {  	[sflag:s26] =	ssyncadd.s32 $0xFFFFE000  }
0x12c: {  	_ =	swait.ge [sflag:s26], $0x2000  }
0x12d: {  	[sflag:s26] =	ssyncset.done $0x0  }
0x12e: {  	[sflag:s26] =	ssyncadd.s32 $0xFFFFE000  }
0x12f: {  	_ =	swait.ge [sflag:s26], $0x400  }
0x130: {  	s7 =	rddreg [dreg:$0x4];
	[sflag:s26] =	ssyncset.done $0x0  }
0x131: {  	s9 =	simm.s32 $0x9;
	[sflag:s26] =	ssyncadd.s32 $0xFFFFFC00;
	s8 =	sadd.s32 s0, s7  }
0x132: {  	[hbm4b:s8+s3] =	stream.linear.scatter [tilespmem:s16], [sflag:$0xC], $0x6400, $0x38;
	[tilespmem:$0x19640] =	vst v63  }
0x133: {  	_ =	swait.ge [sflag:s9], $0x6400  }
0x134: {  	[sflag:s9] =	ssyncset.done $0x0  }
0x135: {  	s28 =	simm.s32 $0xA;
	[sflag:s9] =	ssyncadd.s32 $0xFFFF9C00  }
0x136: {  	_ =	swait.ge [sflag:s28], $0x6400  }
0x137: {  	[sflag:s28] =	ssyncset.done $0x0  }
0x138: {  	s29 =	simm.s32 $0xB;
	[sflag:s28] =	ssyncadd.s32 $0xFFFF9C00  }
0x139: {  	_ =	swait.ge [sflag:s29], $0x6400  }
0x13a: {  	[sflag:s29] =	ssyncset.done $0x0  }
0x13b: {  	s30 =	simm.s32 $0xC;
	[sflag:s29] =	ssyncadd.s32 $0xFFFF9C00  }
0x13c: {  	_ =	swait.ge [sflag:s30], $0x6400  }
0x13d: {  	s5 =	sld [smem:$0x7F9];
	_ =	sdelay $0x2  }
0x13e: {  	s31 =	rddreg [dreg:$0x1f];
	s5 =	sadd.s32 $0x1, s5  }
0x13f: {  	p0 =	sne.s32 s5, s31  }
.Ltmp1:
0x140: {  	_ = 	snop;
	(pc) =	sbr.rel @p0 .LBB2_1-.Ltmp1, $3  }
0x141: {  	_ =	sdelay $0x1  }
0x142: {  	[sflag:s30] =	ssyncset.done $0x0  }
0x143: {  	[sflag:s30] =	ssyncadd.s32 $0xFFFF9C00  }
0x144: {  	_ =	sfence.sel $0x180000  }
0x145: {  	[bflag:$0x0] =	sbarrier.arrive $0xFFFF  }
0x146: {  	_ =	strace $0x90000047  }
0x147: {  	s0 =	stileid.u32;
	[bflag:$0x2] =	sbarrier.arrive $0xFFFF  }
0x148: {  	p0 =	sne.s32 s0, $0x0;
	s0 =	rddreg [dreg:$0x3]  }
0x149: {  	s0 =	sadd.s32 @!p0 $0x100000, s0  }
0x14a: {  	[sflag:s0] =	ssyncadd.tile.s32 @!p0 $0x1;
	_ =	shalt  }
.Lfunc_end2:
_tile_overlayer_lowered:
.L_overlay_start_2:
0x14b: {  	(tag) =	ssettag $0x2  }
0x14c: {  	s0 =	rddreg [dreg:$0x0];
	s2 =	stileid.u32  }
0x14d: {  	s1 =	rddreg [dreg:$0x1];
	p0 =	sne.s32 s2, $0x0  }
0x14e: {  	s3 =	rddreg [dreg:$0x2];
	[bflag:$0x3] =	sbarrier.arrive $0xFFFF;
	s2 =	simm.s32 @!p0 $0x1C0D  }
0x14f: {  	[timem:s3], [sflag:s2] =	dma.local @!p0 [hbm:s0], s1  }
0x150: {  	s0 =	simm.s32 @!p0 $0xD  }
0x151: {  	_ =	swait.ge @!p0 [sflag:s0], s1  }
0x152: {  	s1 =	ssub.s32 @!p0 $0x0, s1;
	[sflag:s0] =	ssyncset.done @!p0 $0x0  }
0x153: {  	[sflag:s0] =	ssyncadd.s32 @!p0 s1  }
0x154: {  	[bflag:$0x3] =	sbarrier.arrive $0xFFFF  }
0x155: {  	_ =	shalt  }

// kernel: sparse-core-data-format-call.cloned.1.call-start
scs
called_computation_lowered:
.L_overlay_start_0:
0x0: {  	s2 =	sld [smem:$0x3FD9]  }
0x1: {  	s3 =	sld [smem:$0x3FFE];
	_ =	sdelay $0x1  }
0x2: {  	s1 =	srdreg.scid  }
0x3: {  	s0 =	sand.u32 $0x1, s1  }
0x4: {  	s15 =	sshll.u32 s0, $0xA;
	s2 =	sadd.s32 s3, s2  }
0x5: {  	s2 =	sadd.s32 s2, s15  }
0x6: {  	[smem:$0x3FC5] =	sst s2  }
0x7: {  	_ = 	snop  }
0x8: {  	s2 =	sld [smem:$0x3FD0];
	_ =	sdelay $0x2  }
0x9: {  	s16 =	simm.s32 $0xA;
	s4 =	simm.s32 $0x10  }
0xa: {  	[smem:s4], [sflag:s16] =	dma.local [hbm:s2], $0x1  }
0xb: {  	_ =	swait.eq [sflag:s16], $0x1  }
0xc: {  	[sflag:s16] =	ssyncset.done $0x0  }
0xd: {  	[sflag:s16] =	ssyncadd.s32 $0xFFFFFFFF  }
0xe: {  	s17 =	sld [smem:$0x10];
	(tm) =	ssettm $0x1  }
0xf: {  	s18 =	sld [smem:$0x3FFB];
	_ =	sdelay $0x3  }
0x10: {  	_ =	strace s18  }
0x11: {  	s3 =	sld [smem:$0x3FFC];
	_ =	sdelay $0x3  }
0x12: {  	_ =	strace s3  }
0x13: {  	s3 =	sld [smem:$0x3FFD];
	_ =	sdelay $0x3  }
0x14: {  	_ =	strace s3  }
0x15: {  	_ =	strace $0x8FFFFFFF  }
0x16: {  	s19 =	sld [smem:$0x3FDB];
	_ =	sdelay $0x1  }
0x17: {  	s20 =	simm.s32 $_scs_section_size  }
0x18: {  	s5 =	simm.s32 $_size__tile_overlayer_lowered;
	s6 =	simm.s32 $_tile_overlayer_lowered  }
0x19: {  	s23 =	simm.s32 $0x1BFF;
	s22 =	sshll.u32 s6, $0x1;
	s3 =	sadd.s32 s20, s19  }
0x1a: {  	s7 =	simm.s32 $0x0;
	s21 =	sshll.u32 s5, $0x1;
	s5 =	sadd.s32 s22, s3  }
0x1b: {  	[timem:s7], [sflag:s23] =	dma.local [hbm:s5], s21  }
0x1c: {  	_ =	swait.ge [sflag:s23], s21  }
0x1d: {  	s4 =	ssub.s32 $0x0, s21;
	[sflag:s23] =	ssyncset.done $0x0  }
0x1e: {  	[sflag:s23] =	ssyncadd.s32 s4;
	_ =	sdelay $0x1  }
0x1f: {  	s24 =	simm.s32 $0x1B8B  }
0x20: {  	_ =	swait.ge [sflag:s24], $0x1  }
0x21: {  	[sflag:s24] =	ssyncset.done $0x0  }
0x22: {  	s26 =	simm.s32 $0x1B8E;
	s25 =	sld [smem:$0x3FFE];
	[sflag:s24] =	ssyncadd.s32 $0xFFFFFFFF  }
0x23: {  	s27 =	simm.s32 $execute0_lowered;
	[smem:$0x3FD2] =	sst s26  }
0x24: {  	s5 =	sshll.u32 s27, $0x1;
	_ =	strace $0x80000049;
	[dreg:$0x1] =	wrdreg $0xFFFFFFFF  }
0x25: {  	s28 =	simm.s32 $_size_execute0_lowered;
	s3 =	sadd.s32 s3, s5;
	[dreg:$0x0] =	wrdreg $0x0  }
0x26: {  	s5 =	sshll.u32 s28, $0x1;
	[dreg:$0x2] =	wrdreg s3  }
0x27: {  	[dreg:$0x3] =	wrdreg s5  }
0x28: {  	[dreg:$0x4] =	wrdreg $0xC0  }
0x29: {  	_ =	task [dreg:s7], $0x5FFFF  }
0x2a: {  	[dreg:$0x1] =	wrdreg $0xFFFFFFFF  }
0x2b: {  	[dreg:$0x0] =	wrdreg $0x60  }
0x2c: {  	[dreg:$0x2] =	wrdreg s25  }
0x2d: {  	[dreg:$0x3] =	wrdreg s17  }
0x2e: {  	[dreg:$0x4] =	wrdreg $0x9  }
0x2f: {  	_ =	task.clear_ibuf [dreg:s7], $0x5FFFF;
	_ =	strace $0x90000049  }
0x30: {  	s29 =	simm.s32 $0x9;
	_ =	strace $0x8000004B  }
0x31: {  	_ =	swait.ge [sflag:s29], $0x1  }
0x32: {  	[sflag:s29] =	ssyncadd.s32 $0xFFFFFFFF  }
0x33: {  	_ =	strace $0x9000004B  }
0x34: {  	_ =	sfence  }
0x35: {  	s30 =	sld [smem:$0x0];
	_ =	sdelay $0x2  }
0x36: {  	s31 =	sshll.u32 s1, $0xD;
	s1 =	sshrl.u32 s1, $0x2  }
0x37: {  	s3 =	sand.u32 $0x4000, s31;
	s1 =	sadd.s32 s1, s30  }
0x38: {  	s0 =	sor.u32 s3, s0;
	s1 =	sshll.u32 s1, $0x11  }
0x39: {  	s0 =	sor.u32 s1, s0  }
0x3a: {  	s0 =	sadd.s32 $0x8F2B, s0  }
0x3b: {  	[sflag:s0] =	ssyncadd.remote.s32 $0x1  }
0x3c: {  	_ =	sfence.sel $0xFFFF  }
0x3d: {  	[dreg:$0x0] =	wrdreg $0xFFFFFFFF;
	(pc) =	sbr.abs _section_cstart, $3  }
0x3e: {  	[dreg:$0x1] =	wrdreg $0xFFFFFFFF  }
0x3f: {  	_ =	task.clear_ibuf [dreg:s7], $0x2FFFF;
	_ =	strace $0x9FFFFFFF  }
0x40: {  	(tm) =	ssettm $0x7FFFFFFF  }
0x41: {  	_ =	shalt  }
tec
execute0_lowered:
.L_overlay_start_1:
0x0: {  	(tag) =	ssettag $0x1  }
0x1: {  	s0 =	stileid.u32;
	s6 =	rddreg [dreg:$0x0]  }
0x2: {  	s2 =	rddreg [dreg:$0x1];
	s5 =	srdreg.scid  }
0x3: {  	s31 =	simm.s32 $0x2;
	s13 =	simm.s32 $0x0;
	s1 =	sshll.u32 s0, $0x7  }
0x4: {  	s14 =	simm.s32 $0x0;
	s12 =	simm.s32 $0x0;
	s3 =	sand.u32 $0x380, s1  }
0x5: {  	s5 =	sshll.u32 s5, $0x4;
	s6 =	sadd.s32 $0x8C00, s6;
	s4 =	ssub.s32 $0x400, s3  }
0x6: {  	s1 =	rddreg [dreg:$0x2];
	_ =	strace $0x8000004A;
	s7 =	sand.u32 $0x380, s4  }
0x7: {  	s5 =	sand.u32 $0x10, s5;
	p0 =	sne.s32 s7, $0x0;
	s7 =	simm.s32 $0x1  }
.Ltmp0:
0x8: {  	s8 =	sshrl.u32 s4, $0xA;
	s7 =	simm.s32 @!p0 $0x0;
	(pc) =	sbr.rel .LBB1_1-.Ltmp0, $4  }
0x9: {  	s9 =	sor.u32 s0, s5;
	s4 =	simm.s32 $0x1;
	s30 =	sadd.s32 s7, s8  }
0xa: {  	s11 =	smov.u32 s3;
	[sflag:s4] =	ssyncpa.u1 $0x0;
	s5 =	smul.u32 $0x32, s30  }
0xb: {  	[sflag:s31] =	ssyncpa.u1 $0x0;
	p0 =	por $0x0, $0x0;
	s7 =	sshrl.u32 s9, $0x3  }
0xc: {  	s9 =	simm.s32 $0x2000;
	s10 =	smov.u32 s7;
	s8 =	sor.u32 $0x1, s5  }
.LBB1_4:
0xd: {  	s17 =	sand.u32 $0x1F80, s14;
	s13 =	sshll.u32 s13, $0xD  }
0xe: {  	[tilespmem:s16+$0x810 ss:$0x81] =	vst.msk $0xffff, v2;
	s18 =	sshrl.u32 s14, $0x3;
	s31 =	sand.u32 $0x7, s14;
	s17 =	sadd.s32 s2, s17  }
0xf: {  	[tilespmem:s16+$0x1020 ss:$0x81] =	vst.msk $0xffff, v0;
	s18 =	sand.u32 $0xF, s18;
	s14 =	sshll.u32 s31, $0x12;
	s13 =	sadd.s32 s13, s17  }
0x10: {  	[tilespmem:s16+$0x0 ss:$0x81] =	vst.msk $0xffff, v1;
	s14 =	sor.u32 $0x400, s14;
	s13 =	sadd.s32 s18, s13  }
0x11: {  	[hbm4b:s13+s14] =	stream.strided.scatter [tilespmem:s15], [sflag:$0x2], $0x2000, s9, s14, $0x20;
	[tilespmem:$0x8080] =	vst v63  }
.LBB1_5:
0x12: {  	s15 =	sadd.s32 $0x4, s10  }
0x13: {  	s13 =	sadd.s32 $0x400, s11;
	s17 =	smov.u32 s11;
	p2 =	sgt.s32 s15, $0xC7  }
0x14: {  	s17 =	smov.u32 @p2 s13  }
0x15: {  	s15 =	smov.u32 @p2 s7;
	p2 =	sgt.s32 s17, $0x3FF  }
0x16: {  	s17 =	smov.u32 @p2 s3;
	p2 =	sne.s32 s12, s8  }
.Ltmp1:
0x17: {  	p1 =	slt.u32 s12, $0x2;
	(pc) =	sbr.rel @!p2 .LBB1_6-.Ltmp1, $4  }
0x18: {  	s16 =	simm.s32 @!p1 $0x2  }
0x19: {  	s14 =	smov.u32 s11;
	p0 =	por !p0, !p0;
	_ =	swait.ge @!p1 [sflag:s16], $0x2000  }
0x1a: {  	s13 =	smov.u32 s10;
	[sflag:s16] =	ssyncset.done @!p1 $0x0;
	s10 =	smov.u32 s15  }
0x1b: {  	s12 =	sadd.s32 $0x1, s12;
	[sflag:s16] =	ssyncadd.s32 @!p1 $0xFFFFE000;
	s11 =	smov.u32 s17  }
.LBB1_1:
0x1c: {  	p1 =	sge.u32 s12, s5  }
0x1d: {  	s15 =	sand.u32 @!p1 $0x1FFFFFF, s10  }
0x1e: {  	s16 =	smulhi.u32 @!p1 $0x147AE15, s15;
	_ =	sdelay $0x1  }
0x1f: {  	s16 =	smul.u32 @!p1 $0xC8, s16  }
0x20: {  	s17 =	sxor.u32 @!p1 $0xFFFFFFFF, s12;
	s18 =	smul.u32 @!p1 $0xC80, s11  }
0x21: {  	s31 =	sadd.s32 $0xFFFFFFFF, s12;
	s17 =	sshll.u32 @!p1 s17, $0xD;
	s15 =	ssub.s32 @!p1 s15, s16  }
0x22: {  	s16 =	sand.u32 @!p1 $0x2000, s17;
	s17 =	sadd.s32 @!p1 s6, s18;
	s15 =	sshll.u32 @!p1 s15, $0x4  }
0x23: {  	s18 =	simm.s32 @!p1 $0x6400;
	s15 =	sadd.s32 @!p1 s15, s17;
	s17 =	simm.s32 @!p1 $0x40  }
0x24: {  	[tilespmem:s16], [sflag:$0x1] =	stream.strided.gather @!p1 [hbm4b:s15+s17], $0x2000, s18, s17, $0x38;
	[tilespmem:$0x8080] =	vst v63  }
0x25: {  	p1 =	sge.u32 s31, s5  }
.Ltmp2:
0x26: {  	_ = 	snop;
	(pc) =	sbr.rel @p1 .LBB1_5-.Ltmp2, $1  }
0x27: {  	_ =	sdelay $0x3  }
0x28: {  	s15 =	simm.s32 $0x1  }
0x29: {  	_ =	swait.ge [sflag:s4], $0x2000;
	s15 =	simm.s32 @!p0 $0x0  }
0x2a: {  	[sflag:s4] =	ssyncset.done $0x0;
	s16 =	sshll.u32 s15, $0xD  }
0x2b: {  	[sflag:s4] =	ssyncadd.s32 $0xFFFFE000;
	s19 =	sor.u32 $0x20, s16  }
0x2c: {  	s15 =	smul.u32 $0x8100, s15;
	v3 =	vld [tilespmem:s19+$0x10]  }
0x2d: {  	s30 =	sand.u32 $0x1, s12;
	v2 =	vld [tilespmem:s19+$0xFFFFFFF0]  }
0x2e: {  	s16 =	smul.u32 $0x8100, s30;
	s15 =	sshrl.u32 s15, $0x2;
	v0 =	vld [tilespmem:s19+$0x0]  }
0x2f: {  	v1 =	vld [tilespmem:s19+$0xFFFFFFE0];
	s17 =	sor.u32 $0x4000, s15  }
0x30: {  	s31 =	sshrl.u32 s16, $0x2;
	s16 =	sadd.s32 $0x0, s17  }
0x31: {  	s18 =	simm.s32 $0x4;
	s19 =	sadd.s32 $0x40, s19;
	s15 =	sor.u32 $0x4000, s31;
	[tilespmem:s16+$0x1830 ss:$0x81] =	vst.msk $0xffff, v3  }
.LBB1_3:
0x32: {  	v3 =	vld [tilespmem:s19+$0x10];
	p1 =	sne.s32 s18, $0x1FC;
	[tilespmem:s16+$0x810 ss:$0x81] =	vst.msk $0xffff, v2;
	s20 =	smov.u32 s18;
	s18 =	sadd.s32 $0x4, s18  }
.Ltmp3:
0x33: {  	v2 =	vld [tilespmem:s19+$0xFFFFFFF0];
	[tilespmem:s16+$0x1020 ss:$0x81] =	vst.msk $0xffff, v0;
	(pc) =	sbr.rel @p1 .LBB1_3-.Ltmp3, $4  }
0x34: {  	v0 =	vld [tilespmem:s19+$0x0];
	[tilespmem:s16+$0x0 ss:$0x81] =	vst.msk $0xffff, v1  }
0x35: {  	s16 =	sshra.s32 s20, $0x2;
	v1 =	vld [tilespmem:s19+$0xFFFFFFE0]  }
0x36: {  	s16 =	sadd.s32 s16, s17  }
0x37: {  	s19 =	sadd.s32 $0x40, s19;
	[tilespmem:s16+$0x1830 ss:$0x81] =	vst.msk $0xffff, v3  }
.Ltmp4:
0x38: {  	_ = 	snop;
	(pc) =	sbr.rel .LBB1_4-.Ltmp4, $1  }
0x39: {  	_ =	sdelay $0x3  }
.LBB1_6:
0x3a: {  	_ =	sfence.sel $0x180000  }
0x3b: {  	s2 =	simm.s32 $0x1;
	[bflag:$0x0] =	sbarrier.arrive $0xFFFF  }
0x3c: {  	s31 =	simm.s32 $0x2;
	[sflag:s2] =	ssyncpa.u1 $0x1  }
0x3d: {  	[sflag:s31] =	ssyncpa.u1 $0x1  }
0x3e: {  	p0 =	sne.s32 s0, $0x0;
	_ =	strace $0x9000004A  }
0x3f: {  	s0 =	sadd.s32 @!p0 $0x100000, s1;
	[bflag:$0x2] =	sbarrier.arrive $0xFFFF  }
0x40: {  	[sflag:s0] =	ssyncadd.tile.s32 @!p0 $0x1;
	_ =	shalt  }
.Lfunc_end1:
_tile_overlayer_lowered:
.L_overlay_start_2:
0x41: {  	(tag) =	ssettag $0x2  }
0x42: {  	s0 =	rddreg [dreg:$0x0];
	s2 =	stileid.u32  }
0x43: {  	s1 =	rddreg [dreg:$0x1];
	p0 =	sne.s32 s2, $0x0  }
0x44: {  	s3 =	rddreg [dreg:$0x2];
	[bflag:$0x3] =	sbarrier.arrive $0xFFFF;
	s2 =	simm.s32 @!p0 $0x1C01  }
0x45: {  	[timem:s3], [sflag:s2] =	dma.local @!p0 [hbm:s0], s1  }
0x46: {  	s0 =	simm.s32 @!p0 $0x1  }
0x47: {  	_ =	swait.ge @!p0 [sflag:s0], s1  }
0x48: {  	s1 =	ssub.s32 @!p0 $0x0, s1;
	[sflag:s0] =	ssyncset.done @!p0 $0x0  }
0x49: {  	[sflag:s0] =	ssyncadd.s32 @!p0 s1  }
0x4a: {  	[bflag:$0x3] =	sbarrier.arrive $0xFFFF  }
0x4b: {  	_ =	shalt  }

</sc_bundles>
